<compile_context>
chip_gen: v7x
topology: tpu7x:2x2x1
jax: 0.10.2.dev20260603
libtpu: 0.0.44.dev20260713+nightly
codegen_flags: <defaults>
</compile_context>

<pallas_src>
import functools

import jax
import jax.numpy as jnp
from jax import lax
from jax.experimental import pallas as pl
from jax.experimental.pallas import tpu as pltpu
from jax.experimental.pallas import tpu_sc as plsc

N_CLASS = 1000000
DROPOUT_PROB = 0.1
SLOT = 128


def _format_kernel(tt_ref, out_ref):
    hidden, blk = tt_ref.shape
    eye = jnp.eye(hidden, dtype=jnp.float32)
    t = lax.dot_general(
        tt_ref[...], eye, (((0,), (0,)), ((), ())),
        preferred_element_type=jnp.float32,
        precision=lax.Precision.HIGHEST,
    )
    out_ref[...] = jnp.concatenate(
        [t, jnp.zeros((blk, SLOT - hidden), jnp.float32)], axis=1)


@functools.lru_cache
def _build_format(hidden: int, n_pad: int, blk: int):
    nblk = n_pad // blk
    return pl.pallas_call(
        _format_kernel,
        grid=(nblk,),
        in_specs=[pl.BlockSpec((hidden, blk), lambda i: (0, i))],
        out_specs=pl.BlockSpec((blk, SLOT), lambda i: (i, 0)),
        out_shape=jax.ShapeDtypeStruct((n_pad, SLOT), jnp.float32),
    )


@functools.lru_cache
def _build(batch: int):
    info = plsc.get_sparse_core_info()
    nc, ns, lanes = info.num_cores, info.num_subcores, info.num_lanes
    nw = nc * ns
    chunk = 128
    assert batch % (nw * chunk) == 0
    b_per_w = batch // nw
    n_chunks = b_per_w // chunk
    mesh = plsc.VectorSubcoreMesh(core_axis_name="c", subcore_axis_name="s")

    @functools.partial(
        pl.kernel,
        mesh=mesh,
        out_type=jax.ShapeDtypeStruct((batch, SLOT), jnp.float32),
        scratch_types=[
            pltpu.VMEM((b_per_w,), jnp.int32),
            pltpu.VMEM((b_per_w,), jnp.int32),
            pltpu.VMEM((b_per_w, SLOT), jnp.float32),
            pltpu.SemaphoreType.DMA,
        ],
    )
    def emb(table_hbm, labels_hbm, mask_hbm, out_hbm, idx_v, msk_v, rows_v, sem):
        wid = lax.axis_index("s") * nc + lax.axis_index("c")
        base = wid * b_per_w
        pltpu.sync_copy(labels_hbm.at[pl.ds(base, b_per_w)], idx_v)
        pltpu.sync_copy(mask_hbm.at[pl.ds(base, b_per_w)], msk_v)
        for j in range(b_per_w // lanes):
            s = pl.ds(j * lanes, lanes)
            idx_v[s] = jnp.where(msk_v[s] != 0, N_CLASS, idx_v[s])
        cps = [
            pltpu.async_copy(
                table_hbm.at[idx_v.at[pl.ds(q * chunk, chunk)]],
                rows_v.at[pl.ds(q * chunk, chunk)],
                sem,
            )
            for q in range(n_chunks)
        ]
        for cp in cps:
            cp.wait()
        pltpu.sync_copy(rows_v, out_hbm.at[pl.ds(base, b_per_w)])

    return emb


def kernel(labels, table):
    batch = labels.shape[0]
    n_rows, hidden = table.shape
    blk = 2048
    n_pad = pl.cdiv(n_rows, blk) * blk
    u = jax.random.uniform(jax.random.key(1234), (batch,))
    mask = (u < DROPOUT_PROB).astype(jnp.int32)
    padded = _build_format(hidden, n_pad, blk)(table.T)
    out = _build(batch)(padded, labels.astype(jnp.int32), mask)
    return out[:, :hidden]

# --- scband reference (transcript-rebuilt; emitter-appended) ---
"""Pipeline reference for scband-label-embedder-67740224193054 (READ-ONLY COPY).

The authoritative reference and input builder live on the scoring server;
editing this copy changes nothing except your own understanding.
"""

import jax, jax.numpy as jnp
import numpy as np

N_CLASS = 1000000
HIDDEN = 64
DROPOUT_PROB = 0.1
BATCH = 16384


def setup_inputs(seed: int = 0) -> dict:
    key = jax.random.key(seed)
    k_lab, k_tab = jax.random.split(key)
    labels = jax.random.randint(k_lab, (BATCH,), 0, N_CLASS, dtype=jnp.int64 if jax.config.jax_enable_x64 else jnp.int32).astype(jnp.int32)
    # embedding table has n_class + 1 rows (extra row is the 'dropped label' slot)
    table = jax.random.normal(k_tab, (N_CLASS + 1, HIDDEN), dtype=jnp.float32) * 0.02
    return {"labels": labels, "table": table}


def reference(labels, table):
    # label dropout (train=True path): replace ~dropout_prob fraction of labels
    # with the sentinel index n_class, then embed.
    k_drop = jax.random.key(1234)
    drop_ids = jax.random.uniform(k_drop, (labels.shape[0],)) < DROPOUT_PROB
    labels = jnp.where(drop_ids, N_CLASS, labels)
    emb = jnp.take(table, labels, axis=0)
    return emb

if __name__ == "__main__":
    import jax
    _d = setup_inputs()
    print(jax.jit(kernel)(*tuple(_d.values())))

</pallas_src>

<mosaic_0001>
#map = affine_map<(d0, d1) -> (0, 0)>
#map1 = affine_map<(d0, d1) -> (0)>
module attributes {stable_mosaic.version = 14 : i64} {
  func.func @emb(%arg0: i32, %arg1: i32, %arg2: memref<1001472x128xf32, #tpu.memory_space<hbm>>, %arg3: memref<16384xi32, #tpu.memory_space<hbm>>, %arg4: memref<16384xi32, #tpu.memory_space<hbm>>, %arg5: memref<16384x128xf32, #tpu.memory_space<hbm>>, %arg6: memref<512xi32, #tpu.memory_space<vmem>>, %arg7: memref<512xi32, #tpu.memory_space<vmem>>, %arg8: memref<512x128xf32, #tpu.memory_space<vmem>>, %arg9: memref<!tpu.dma_semaphore, #tpu.memory_space<semaphore_mem>>) attributes {dimension_semantics = [#tpu.dimension_semantics<core_parallel>, #tpu.dimension_semantics<subcore_parallel>], iteration_bounds = array<i64: 2, 16>, scalar_prefetch = 0 : i64, scratch_operands = 4 : i64, tpu.core_type = #tpu.core_type<sc_vector_subcore>, window_params = [{transform_indices = #map}, {transform_indices = #map1}, {transform_indices = #map1}, {transform_indices = #map}]} {
    %mul3A = arith.constant 2 : i32
    %mul3A_0 = arith.muli %arg1, %mul3A : i32
    %add3A = arith.addi %mul3A_0, %arg0 : i32
    %mul3A_1 = arith.constant 512 : i32
    %mul3A_2 = arith.muli %add3A, %mul3A_1 : i32
    "tpu.region"() ({
      %run_scoped3A = tpu.sem_alloc : memref<!tpu.dma_semaphore, #tpu.memory_space<semaphore_mem>>
      %dma_start3A_571 = tpu.memref_slice %arg3[%mul3A_2] : memref<16384xi32, #tpu.memory_space<hbm>> -> memref<512xi32, #tpu.memory_space<hbm>>
      %dma_start3A_572 = tpu.memref_slice %arg3[%mul3A_2] : memref<16384xi32, #tpu.memory_space<hbm>> -> memref<512xi32, #tpu.memory_space<hbm>>
      tpu.enqueue_dma source(%dma_start3A_572 : memref<512xi32, #tpu.memory_space<hbm>>) target(%arg6 : memref<512xi32, #tpu.memory_space<vmem>>) target_semaphore(%run_scoped3A : memref<!tpu.dma_semaphore, #tpu.memory_space<semaphore_mem>>)
      %dma_wait3A_573 = tpu.memref_slice %arg3[%mul3A_2] : memref<16384xi32, #tpu.memory_space<hbm>> -> memref<512xi32, #tpu.memory_space<hbm>>
      %dma_wait3A_574 = tpu.memref_slice %arg3[%mul3A_2] : memref<16384xi32, #tpu.memory_space<hbm>> -> memref<512xi32, #tpu.memory_space<hbm>>
      tpu.wait_dma2 semaphore(%run_scoped3A : memref<!tpu.dma_semaphore, #tpu.memory_space<semaphore_mem>>) src(%dma_wait3A_574 : memref<512xi32, #tpu.memory_space<hbm>>) dst(%arg6 : memref<512xi32, #tpu.memory_space<vmem>>)
      tpu.yield
    }) : () -> ()
    "tpu.region"() ({
      %run_scoped3A = tpu.sem_alloc : memref<!tpu.dma_semaphore, #tpu.memory_space<semaphore_mem>>
      %dma_start3A_571 = tpu.memref_slice %arg4[%mul3A_2] : memref<16384xi32, #tpu.memory_space<hbm>> -> memref<512xi32, #tpu.memory_space<hbm>>
      %dma_start3A_572 = tpu.memref_slice %arg4[%mul3A_2] : memref<16384xi32, #tpu.memory_space<hbm>> -> memref<512xi32, #tpu.memory_space<hbm>>
      tpu.enqueue_dma source(%dma_start3A_572 : memref<512xi32, #tpu.memory_space<hbm>>) target(%arg7 : memref<512xi32, #tpu.memory_space<vmem>>) target_semaphore(%run_scoped3A : memref<!tpu.dma_semaphore, #tpu.memory_space<semaphore_mem>>)
      %dma_wait3A_573 = tpu.memref_slice %arg4[%mul3A_2] : memref<16384xi32, #tpu.memory_space<hbm>> -> memref<512xi32, #tpu.memory_space<hbm>>
      %dma_wait3A_574 = tpu.memref_slice %arg4[%mul3A_2] : memref<16384xi32, #tpu.memory_space<hbm>> -> memref<512xi32, #tpu.memory_space<hbm>>
      tpu.wait_dma2 semaphore(%run_scoped3A : memref<!tpu.dma_semaphore, #tpu.memory_space<semaphore_mem>>) src(%dma_wait3A_574 : memref<512xi32, #tpu.memory_space<hbm>>) dst(%arg7 : memref<512xi32, #tpu.memory_space<vmem>>)
      tpu.yield
    }) : () -> ()
    %get3A = arith.constant 0 : index
    %get3A_3 = tpu.vector_load %arg7[%get3A] {strides = array<i32>} : memref<512xi32, #tpu.memory_space<vmem>>, vector<16xi32>,
    %get3A_4 = vector.shape_cast %get3A_3 : vector<16xi32> to vector<16xi32>
    %ne3A = arith.constant 0 : i32
    %ne3A_5 = vector.broadcast %ne3A : i32 to vector<16xi32>
    %ne3A_6 = arith.cmpi ne, %get3A_4, %ne3A_5 : vector<16xi32>
    %get3A_7 = arith.constant 0 : index
    %get3A_8 = tpu.vector_load %arg6[%get3A_7] {strides = array<i32>} : memref<512xi32, #tpu.memory_space<vmem>>, vector<16xi32>,
    %get3A_9 = vector.shape_cast %get3A_8 : vector<16xi32> to vector<16xi32>
    %jit3A = arith.constant 1000000 : i32
    %broadcast_in_dim3A = vector.broadcast %jit3A : i32 to vector<16xi32>
    %select_n3A = arith.select %ne3A_6, %broadcast_in_dim3A, %get3A_9 : vector<16xi1>, vector<16xi32>
    %swap3A = arith.constant 0 : index
    %swap3A_10 = tpu.vector_load %arg6[%swap3A] {strides = array<i32>} : memref<512xi32, #tpu.memory_space<vmem>>, vector<16xi32>,
    %swap3A_11 = vector.shape_cast %swap3A_10 : vector<16xi32> to vector<16xi32>
    %swap3A_12 = vector.shape_cast %select_n3A : vector<16xi32> to vector<16xi32>
    tpu.vector_store %arg6[%swap3A], %swap3A_12 {strides = array<i32>} : memref<512xi32, #tpu.memory_space<vmem>>, vector<16xi32>,
    %get3A_13 = arith.constant 16 : index
    %get3A_14 = tpu.vector_load %arg7[%get3A_13] {strides = array<i32>} : memref<512xi32, #tpu.memory_space<vmem>>, vector<16xi32>,
    %get3A_15 = vector.shape_cast %get3A_14 : vector<16xi32> to vector<16xi32>
    %ne3A_16 = arith.constant 0 : i32
    %ne3A_17 = vector.broadcast %ne3A_16 : i32 to vector<16xi32>
    %ne3A_18 = arith.cmpi ne, %get3A_15, %ne3A_17 : vector<16xi32>
    %get3A_19 = arith.constant 16 : index
    %get3A_20 = tpu.vector_load %arg6[%get3A_19] {strides = array<i32>} : memref<512xi32, #tpu.memory_space<vmem>>, vector<16xi32>,
    %get3A_21 = vector.shape_cast %get3A_20 : vector<16xi32> to vector<16xi32>
    %jit3A_22 = arith.constant 1000000 : i32
    %broadcast_in_dim3A_23 = vector.broadcast %jit3A_22 : i32 to vector<16xi32>
    %select_n3A_24 = arith.select %ne3A_18, %broadcast_in_dim3A_23, %get3A_21 : vector<16xi1>, vector<16xi32>
    %swap3A_25 = arith.constant 16 : index
    %swap3A_26 = tpu.vector_load %arg6[%swap3A_25] {strides = array<i32>} : memref<512xi32, #tpu.memory_space<vmem>>, vector<16xi32>,
    %swap3A_27 = vector.shape_cast %swap3A_26 : vector<16xi32> to vector<16xi32>
    %swap3A_28 = vector.shape_cast %select_n3A_24 : vector<16xi32> to vector<16xi32>
    tpu.vector_store %arg6[%swap3A_25], %swap3A_28 {strides = array<i32>} : memref<512xi32, #tpu.memory_space<vmem>>, vector<16xi32>,
    %get3A_29 = arith.constant 32 : index
    %get3A_30 = tpu.vector_load %arg7[%get3A_29] {strides = array<i32>} : memref<512xi32, #tpu.memory_space<vmem>>, vector<16xi32>,
    %get3A_31 = vector.shape_cast %get3A_30 : vector<16xi32> to vector<16xi32>
    %ne3A_32 = arith.constant 0 : i32
    %ne3A_33 = vector.broadcast %ne3A_32 : i32 to vector<16xi32>
    %ne3A_34 = arith.cmpi ne, %get3A_31, %ne3A_33 : vector<16xi32>
    %get3A_35 = arith.constant 32 : index
    %get3A_36 = tpu.vector_load %arg6[%get3A_35] {strides = array<i32>} : memref<512xi32, #tpu.memory_space<vmem>>, vector<16xi32>,
    %get3A_37 = vector.shape_cast %get3A_36 : vector<16xi32> to vector<16xi32>
    %jit3A_38 = arith.constant 1000000 : i32
    %broadcast_in_dim3A_39 = vector.broadcast %jit3A_38 : i32 to vector<16xi32>
    %select_n3A_40 = arith.select %ne3A_34, %broadcast_in_dim3A_39, %get3A_37 : vector<16xi1>, vector<16xi32>
    %swap3A_41 = arith.constant 32 : index
    %swap3A_42 = tpu.vector_load %arg6[%swap3A_41] {strides = array<i32>} : memref<512xi32, #tpu.memory_space<vmem>>, vector<16xi32>,
    %swap3A_43 = vector.shape_cast %swap3A_42 : vector<16xi32> to vector<16xi32>
    %swap3A_44 = vector.shape_cast %select_n3A_40 : vector<16xi32> to vector<16xi32>
    tpu.vector_store %arg6[%swap3A_41], %swap3A_44 {strides = array<i32>} : memref<512xi32, #tpu.memory_space<vmem>>, vector<16xi32>,
    %get3A_45 = arith.constant 48 : index
    %get3A_46 = tpu.vector_load %arg7[%get3A_45] {strides = array<i32>} : memref<512xi32, #tpu.memory_space<vmem>>, vector<16xi32>,
    %get3A_47 = vector.shape_cast %get3A_46 : vector<16xi32> to vector<16xi32>
    %ne3A_48 = arith.constant 0 : i32
    %ne3A_49 = vector.broadcast %ne3A_48 : i32 to vector<16xi32>
    %ne3A_50 = arith.cmpi ne, %get3A_47, %ne3A_49 : vector<16xi32>
    %get3A_51 = arith.constant 48 : index
    %get3A_52 = tpu.vector_load %arg6[%get3A_51] {strides = array<i32>} : memref<512xi32, #tpu.memory_space<vmem>>, vector<16xi32>,
    %get3A_53 = vector.shape_cast %get3A_52 : vector<16xi32> to vector<16xi32>
    %jit3A_54 = arith.constant 1000000 : i32
    %broadcast_in_dim3A_55 = vector.broadcast %jit3A_54 : i32 to vector<16xi32>
    %select_n3A_56 = arith.select %ne3A_50, %broadcast_in_dim3A_55, %get3A_53 : vector<16xi1>, vector<16xi32>
    %swap3A_57 = arith.constant 48 : index
    %swap3A_58 = tpu.vector_load %arg6[%swap3A_57] {strides = array<i32>} : memref<512xi32, #tpu.memory_space<vmem>>, vector<16xi32>,
    %swap3A_59 = vector.shape_cast %swap3A_58 : vector<16xi32> to vector<16xi32>
    %swap3A_60 = vector.shape_cast %select_n3A_56 : vector<16xi32> to vector<16xi32>
    tpu.vector_store %arg6[%swap3A_57], %swap3A_60 {strides = array<i32>} : memref<512xi32, #tpu.memory_space<vmem>>, vector<16xi32>,
    %get3A_61 = arith.constant 64 : index
    %get3A_62 = tpu.vector_load %arg7[%get3A_61] {strides = array<i32>} : memref<512xi32, #tpu.memory_space<vmem>>, vector<16xi32>,
    %get3A_63 = vector.shape_cast %get3A_62 : vector<16xi32> to vector<16xi32>
    %ne3A_64 = arith.constant 0 : i32
    %ne3A_65 = vector.broadcast %ne3A_64 : i32 to vector<16xi32>
    %ne3A_66 = arith.cmpi ne, %get3A_63, %ne3A_65 : vector<16xi32>
    %get3A_67 = arith.constant 64 : index
    %get3A_68 = tpu.vector_load %arg6[%get3A_67] {strides = array<i32>} : memref<512xi32, #tpu.memory_space<vmem>>, vector<16xi32>,
    %get3A_69 = vector.shape_cast %get3A_68 : vector<16xi32> to vector<16xi32>
    %jit3A_70 = arith.constant 1000000 : i32
    %broadcast_in_dim3A_71 = vector.broadcast %jit3A_70 : i32 to vector<16xi32>
    %select_n3A_72 = arith.select %ne3A_66, %broadcast_in_dim3A_71, %get3A_69 : vector<16xi1>, vector<16xi32>
    %swap3A_73 = arith.constant 64 : index
    %swap3A_74 = tpu.vector_load %arg6[%swap3A_73] {strides = array<i32>} : memref<512xi32, #tpu.memory_space<vmem>>, vector<16xi32>,
    %swap3A_75 = vector.shape_cast %swap3A_74 : vector<16xi32> to vector<16xi32>
    %swap3A_76 = vector.shape_cast %select_n3A_72 : vector<16xi32> to vector<16xi32>
    tpu.vector_store %arg6[%swap3A_73], %swap3A_76 {strides = array<i32>} : memref<512xi32, #tpu.memory_space<vmem>>, vector<16xi32>,
    %get3A_77 = arith.constant 80 : index
    %get3A_78 = tpu.vector_load %arg7[%get3A_77] {strides = array<i32>} : memref<512xi32, #tpu.memory_space<vmem>>, vector<16xi32>,
    %get3A_79 = vector.shape_cast %get3A_78 : vector<16xi32> to vector<16xi32>
    %ne3A_80 = arith.constant 0 : i32
    %ne3A_81 = vector.broadcast %ne3A_80 : i32 to vector<16xi32>
    %ne3A_82 = arith.cmpi ne, %get3A_79, %ne3A_81 : vector<16xi32>
    %get3A_83 = arith.constant 80 : index
    %get3A_84 = tpu.vector_load %arg6[%get3A_83] {strides = array<i32>} : memref<512xi32, #tpu.memory_space<vmem>>, vector<16xi32>,
    %get3A_85 = vector.shape_cast %get3A_84 : vector<16xi32> to vector<16xi32>
    %jit3A_86 = arith.constant 1000000 : i32
    %broadcast_in_dim3A_87 = vector.broadcast %jit3A_86 : i32 to vector<16xi32>
    %select_n3A_88 = arith.select %ne3A_82, %broadcast_in_dim3A_87, %get3A_85 : vector<16xi1>, vector<16xi32>
    %swap3A_89 = arith.constant 80 : index
    %swap3A_90 = tpu.vector_load %arg6[%swap3A_89] {strides = array<i32>} : memref<512xi32, #tpu.memory_space<vmem>>, vector<16xi32>,
    %swap3A_91 = vector.shape_cast %swap3A_90 : vector<16xi32> to vector<16xi32>
    %swap3A_92 = vector.shape_cast %select_n3A_88 : vector<16xi32> to vector<16xi32>
    tpu.vector_store %arg6[%swap3A_89], %swap3A_92 {strides = array<i32>} : memref<512xi32, #tpu.memory_space<vmem>>, vector<16xi32>,
    %get3A_93 = arith.constant 96 : index
    %get3A_94 = tpu.vector_load %arg7[%get3A_93] {strides = array<i32>} : memref<512xi32, #tpu.memory_space<vmem>>, vector<16xi32>,
    %get3A_95 = vector.shape_cast %get3A_94 : vector<16xi32> to vector<16xi32>
    %ne3A_96 = arith.constant 0 : i32
    %ne3A_97 = vector.broadcast %ne3A_96 : i32 to vector<16xi32>
    %ne3A_98 = arith.cmpi ne, %get3A_95, %ne3A_97 : vector<16xi32>
    %get3A_99 = arith.constant 96 : index
    %get3A_100 = tpu.vector_load %arg6[%get3A_99] {strides = array<i32>} : memref<512xi32, #tpu.memory_space<vmem>>, vector<16xi32>,
    %get3A_101 = vector.shape_cast %get3A_100 : vector<16xi32> to vector<16xi32>
    %jit3A_102 = arith.constant 1000000 : i32
    %broadcast_in_dim3A_103 = vector.broadcast %jit3A_102 : i32 to vector<16xi32>
    %select_n3A_104 = arith.select %ne3A_98, %broadcast_in_dim3A_103, %get3A_101 : vector<16xi1>, vector<16xi32>
    %swap3A_105 = arith.constant 96 : index
    %swap3A_106 = tpu.vector_load %arg6[%swap3A_105] {strides = array<i32>} : memref<512xi32, #tpu.memory_space<vmem>>, vector<16xi32>,
    %swap3A_107 = vector.shape_cast %swap3A_106 : vector<16xi32> to vector<16xi32>
    %swap3A_108 = vector.shape_cast %select_n3A_104 : vector<16xi32> to vector<16xi32>
    tpu.vector_store %arg6[%swap3A_105], %swap3A_108 {strides = array<i32>} : memref<512xi32, #tpu.memory_space<vmem>>, vector<16xi32>,
    %get3A_109 = arith.constant 112 : index
    %get3A_110 = tpu.vector_load %arg7[%get3A_109] {strides = array<i32>} : memref<512xi32, #tpu.memory_space<vmem>>, vector<16xi32>,
    %get3A_111 = vector.shape_cast %get3A_110 : vector<16xi32> to vector<16xi32>
    %ne3A_112 = arith.constant 0 : i32
    %ne3A_113 = vector.broadcast %ne3A_112 : i32 to vector<16xi32>
    %ne3A_114 = arith.cmpi ne, %get3A_111, %ne3A_113 : vector<16xi32>
    %get3A_115 = arith.constant 112 : index
    %get3A_116 = tpu.vector_load %arg6[%get3A_115] {strides = array<i32>} : memref<512xi32, #tpu.memory_space<vmem>>, vector<16xi32>,
    %get3A_117 = vector.shape_cast %get3A_116 : vector<16xi32> to vector<16xi32>
    %jit3A_118 = arith.constant 1000000 : i32
    %broadcast_in_dim3A_119 = vector.broadcast %jit3A_118 : i32 to vector<16xi32>
    %select_n3A_120 = arith.select %ne3A_114, %broadcast_in_dim3A_119, %get3A_117 : vector<16xi1>, vector<16xi32>
    %swap3A_121 = arith.constant 112 : index
    %swap3A_122 = tpu.vector_load %arg6[%swap3A_121] {strides = array<i32>} : memref<512xi32, #tpu.memory_space<vmem>>, vector<16xi32>,
    %swap3A_123 = vector.shape_cast %swap3A_122 : vector<16xi32> to vector<16xi32>
    %swap3A_124 = vector.shape_cast %select_n3A_120 : vector<16xi32> to vector<16xi32>
    tpu.vector_store %arg6[%swap3A_121], %swap3A_124 {strides = array<i32>} : memref<512xi32, #tpu.memory_space<vmem>>, vector<16xi32>,
    %get3A_125 = arith.constant 128 : index
    %get3A_126 = tpu.vector_load %arg7[%get3A_125] {strides = array<i32>} : memref<512xi32, #tpu.memory_space<vmem>>, vector<16xi32>,
    %get3A_127 = vector.shape_cast %get3A_126 : vector<16xi32> to vector<16xi32>
    %ne3A_128 = arith.constant 0 : i32
    %ne3A_129 = vector.broadcast %ne3A_128 : i32 to vector<16xi32>
    %ne3A_130 = arith.cmpi ne, %get3A_127, %ne3A_129 : vector<16xi32>
    %get3A_131 = arith.constant 128 : index
    %get3A_132 = tpu.vector_load %arg6[%get3A_131] {strides = array<i32>} : memref<512xi32, #tpu.memory_space<vmem>>, vector<16xi32>,
    %get3A_133 = vector.shape_cast %get3A_132 : vector<16xi32> to vector<16xi32>
    %jit3A_134 = arith.constant 1000000 : i32
    %broadcast_in_dim3A_135 = vector.broadcast %jit3A_134 : i32 to vector<16xi32>
    %select_n3A_136 = arith.select %ne3A_130, %broadcast_in_dim3A_135, %get3A_133 : vector<16xi1>, vector<16xi32>
    %swap3A_137 = arith.constant 128 : index
    %swap3A_138 = tpu.vector_load %arg6[%swap3A_137] {strides = array<i32>} : memref<512xi32, #tpu.memory_space<vmem>>, vector<16xi32>,
    %swap3A_139 = vector.shape_cast %swap3A_138 : vector<16xi32> to vector<16xi32>
    %swap3A_140 = vector.shape_cast %select_n3A_136 : vector<16xi32> to vector<16xi32>
    tpu.vector_store %arg6[%swap3A_137], %swap3A_140 {strides = array<i32>} : memref<512xi32, #tpu.memory_space<vmem>>, vector<16xi32>,
    %get3A_141 = arith.constant 144 : index
    %get3A_142 = tpu.vector_load %arg7[%get3A_141] {strides = array<i32>} : memref<512xi32, #tpu.memory_space<vmem>>, vector<16xi32>,
    %get3A_143 = vector.shape_cast %get3A_142 : vector<16xi32> to vector<16xi32>
    %ne3A_144 = arith.constant 0 : i32
    %ne3A_145 = vector.broadcast %ne3A_144 : i32 to vector<16xi32>
    %ne3A_146 = arith.cmpi ne, %get3A_143, %ne3A_145 : vector<16xi32>
    %get3A_147 = arith.constant 144 : index
    %get3A_148 = tpu.vector_load %arg6[%get3A_147] {strides = array<i32>} : memref<512xi32, #tpu.memory_space<vmem>>, vector<16xi32>,
    %get3A_149 = vector.shape_cast %get3A_148 : vector<16xi32> to vector<16xi32>
    %jit3A_150 = arith.constant 1000000 : i32
    %broadcast_in_dim3A_151 = vector.broadcast %jit3A_150 : i32 to vector<16xi32>
    %select_n3A_152 = arith.select %ne3A_146, %broadcast_in_dim3A_151, %get3A_149 : vector<16xi1>, vector<16xi32>
    %swap3A_153 = arith.constant 144 : index
    %swap3A_154 = tpu.vector_load %arg6[%swap3A_153] {strides = array<i32>} : memref<512xi32, #tpu.memory_space<vmem>>, vector<16xi32>,
    %swap3A_155 = vector.shape_cast %swap3A_154 : vector<16xi32> to vector<16xi32>
    %swap3A_156 = vector.shape_cast %select_n3A_152 : vector<16xi32> to vector<16xi32>
    tpu.vector_store %arg6[%swap3A_153], %swap3A_156 {strides = array<i32>} : memref<512xi32, #tpu.memory_space<vmem>>, vector<16xi32>,
    %get3A_157 = arith.constant 160 : index
    %get3A_158 = tpu.vector_load %arg7[%get3A_157] {strides = array<i32>} : memref<512xi32, #tpu.memory_space<vmem>>, vector<16xi32>,
    %get3A_159 = vector.shape_cast %get3A_158 : vector<16xi32> to vector<16xi32>
    %ne3A_160 = arith.constant 0 : i32
    %ne3A_161 = vector.broadcast %ne3A_160 : i32 to vector<16xi32>
    %ne3A_162 = arith.cmpi ne, %get3A_159, %ne3A_161 : vector<16xi32>
    %get3A_163 = arith.constant 160 : index
    %get3A_164 = tpu.vector_load %arg6[%get3A_163] {strides = array<i32>} : memref<512xi32, #tpu.memory_space<vmem>>, vector<16xi32>,
    %get3A_165 = vector.shape_cast %get3A_164 : vector<16xi32> to vector<16xi32>
    %jit3A_166 = arith.constant 1000000 : i32
    %broadcast_in_dim3A_167 = vector.broadcast %jit3A_166 : i32 to vector<16xi32>
    %select_n3A_168 = arith.select %ne3A_162, %broadcast_in_dim3A_167, %get3A_165 : vector<16xi1>, vector<16xi32>
    %swap3A_169 = arith.constant 160 : index
    %swap3A_170 = tpu.vector_load %arg6[%swap3A_169] {strides = array<i32>} : memref<512xi32, #tpu.memory_space<vmem>>, vector<16xi32>,
    %swap3A_171 = vector.shape_cast %swap3A_170 : vector<16xi32> to vector<16xi32>
    %swap3A_172 = vector.shape_cast %select_n3A_168 : vector<16xi32> to vector<16xi32>
    tpu.vector_store %arg6[%swap3A_169], %swap3A_172 {strides = array<i32>} : memref<512xi32, #tpu.memory_space<vmem>>, vector<16xi32>,
    %get3A_173 = arith.constant 176 : index
    %get3A_174 = tpu.vector_load %arg7[%get3A_173] {strides = array<i32>} : memref<512xi32, #tpu.memory_space<vmem>>, vector<16xi32>,
    %get3A_175 = vector.shape_cast %get3A_174 : vector<16xi32> to vector<16xi32>
    %ne3A_176 = arith.constant 0 : i32
    %ne3A_177 = vector.broadcast %ne3A_176 : i32 to vector<16xi32>
    %ne3A_178 = arith.cmpi ne, %get3A_175, %ne3A_177 : vector<16xi32>
    %get3A_179 = arith.constant 176 : index
    %get3A_180 = tpu.vector_load %arg6[%get3A_179] {strides = array<i32>} : memref<512xi32, #tpu.memory_space<vmem>>, vector<16xi32>,
    %get3A_181 = vector.shape_cast %get3A_180 : vector<16xi32> to vector<16xi32>
    %jit3A_182 = arith.constant 1000000 : i32
    %broadcast_in_dim3A_183 = vector.broadcast %jit3A_182 : i32 to vector<16xi32>
    %select_n3A_184 = arith.select %ne3A_178, %broadcast_in_dim3A_183, %get3A_181 : vector<16xi1>, vector<16xi32>
    %swap3A_185 = arith.constant 176 : index
    %swap3A_186 = tpu.vector_load %arg6[%swap3A_185] {strides = array<i32>} : memref<512xi32, #tpu.memory_space<vmem>>, vector<16xi32>,
    %swap3A_187 = vector.shape_cast %swap3A_186 : vector<16xi32> to vector<16xi32>
    %swap3A_188 = vector.shape_cast %select_n3A_184 : vector<16xi32> to vector<16xi32>
    tpu.vector_store %arg6[%swap3A_185], %swap3A_188 {strides = array<i32>} : memref<512xi32, #tpu.memory_space<vmem>>, vector<16xi32>,
    %get3A_189 = arith.constant 192 : index
    %get3A_190 = tpu.vector_load %arg7[%get3A_189] {strides = array<i32>} : memref<512xi32, #tpu.memory_space<vmem>>, vector<16xi32>,
    %get3A_191 = vector.shape_cast %get3A_190 : vector<16xi32> to vector<16xi32>
    %ne3A_192 = arith.constant 0 : i32
    %ne3A_193 = vector.broadcast %ne3A_192 : i32 to vector<16xi32>
    %ne3A_194 = arith.cmpi ne, %get3A_191, %ne3A_193 : vector<16xi32>
    %get3A_195 = arith.constant 192 : index
    %get3A_196 = tpu.vector_load %arg6[%get3A_195] {strides = array<i32>} : memref<512xi32, #tpu.memory_space<vmem>>, vector<16xi32>,
    %get3A_197 = vector.shape_cast %get3A_196 : vector<16xi32> to vector<16xi32>
    %jit3A_198 = arith.constant 1000000 : i32
    %broadcast_in_dim3A_199 = vector.broadcast %jit3A_198 : i32 to vector<16xi32>
    %select_n3A_200 = arith.select %ne3A_194, %broadcast_in_dim3A_199, %get3A_197 : vector<16xi1>, vector<16xi32>
    %swap3A_201 = arith.constant 192 : index
    %swap3A_202 = tpu.vector_load %arg6[%swap3A_201] {strides = array<i32>} : memref<512xi32, #tpu.memory_space<vmem>>, vector<16xi32>,
    %swap3A_203 = vector.shape_cast %swap3A_202 : vector<16xi32> to vector<16xi32>
    %swap3A_204 = vector.shape_cast %select_n3A_200 : vector<16xi32> to vector<16xi32>
    tpu.vector_store %arg6[%swap3A_201], %swap3A_204 {strides = array<i32>} : memref<512xi32, #tpu.memory_space<vmem>>, vector<16xi32>,
    %get3A_205 = arith.constant 208 : index
    %get3A_206 = tpu.vector_load %arg7[%get3A_205] {strides = array<i32>} : memref<512xi32, #tpu.memory_space<vmem>>, vector<16xi32>,
    %get3A_207 = vector.shape_cast %get3A_206 : vector<16xi32> to vector<16xi32>
    %ne3A_208 = arith.constant 0 : i32
    %ne3A_209 = vector.broadcast %ne3A_208 : i32 to vector<16xi32>
    %ne3A_210 = arith.cmpi ne, %get3A_207, %ne3A_209 : vector<16xi32>
    %get3A_211 = arith.constant 208 : index
    %get3A_212 = tpu.vector_load %arg6[%get3A_211] {strides = array<i32>} : memref<512xi32, #tpu.memory_space<vmem>>, vector<16xi32>,
    %get3A_213 = vector.shape_cast %get3A_212 : vector<16xi32> to vector<16xi32>
    %jit3A_214 = arith.constant 1000000 : i32
    %broadcast_in_dim3A_215 = vector.broadcast %jit3A_214 : i32 to vector<16xi32>
    %select_n3A_216 = arith.select %ne3A_210, %broadcast_in_dim3A_215, %get3A_213 : vector<16xi1>, vector<16xi32>
    %swap3A_217 = arith.constant 208 : index
    %swap3A_218 = tpu.vector_load %arg6[%swap3A_217] {strides = array<i32>} : memref<512xi32, #tpu.memory_space<vmem>>, vector<16xi32>,
    %swap3A_219 = vector.shape_cast %swap3A_218 : vector<16xi32> to vector<16xi32>
    %swap3A_220 = vector.shape_cast %select_n3A_216 : vector<16xi32> to vector<16xi32>
    tpu.vector_store %arg6[%swap3A_217], %swap3A_220 {strides = array<i32>} : memref<512xi32, #tpu.memory_space<vmem>>, vector<16xi32>,
    %get3A_221 = arith.constant 224 : index
    %get3A_222 = tpu.vector_load %arg7[%get3A_221] {strides = array<i32>} : memref<512xi32, #tpu.memory_space<vmem>>, vector<16xi32>,
    %get3A_223 = vector.shape_cast %get3A_222 : vector<16xi32> to vector<16xi32>
    %ne3A_224 = arith.constant 0 : i32
    %ne3A_225 = vector.broadcast %ne3A_224 : i32 to vector<16xi32>
    %ne3A_226 = arith.cmpi ne, %get3A_223, %ne3A_225 : vector<16xi32>
    %get3A_227 = arith.constant 224 : index
    %get3A_228 = tpu.vector_load %arg6[%get3A_227] {strides = array<i32>} : memref<512xi32, #tpu.memory_space<vmem>>, vector<16xi32>,
    %get3A_229 = vector.shape_cast %get3A_228 : vector<16xi32> to vector<16xi32>
    %jit3A_230 = arith.constant 1000000 : i32
    %broadcast_in_dim3A_231 = vector.broadcast %jit3A_230 : i32 to vector<16xi32>
    %select_n3A_232 = arith.select %ne3A_226, %broadcast_in_dim3A_231, %get3A_229 : vector<16xi1>, vector<16xi32>
    %swap3A_233 = arith.constant 224 : index
    %swap3A_234 = tpu.vector_load %arg6[%swap3A_233] {strides = array<i32>} : memref<512xi32, #tpu.memory_space<vmem>>, vector<16xi32>,
    %swap3A_235 = vector.shape_cast %swap3A_234 : vector<16xi32> to vector<16xi32>
    %swap3A_236 = vector.shape_cast %select_n3A_232 : vector<16xi32> to vector<16xi32>
    tpu.vector_store %arg6[%swap3A_233], %swap3A_236 {strides = array<i32>} : memref<512xi32, #tpu.memory_space<vmem>>, vector<16xi32>,
    %get3A_237 = arith.constant 240 : index
    %get3A_238 = tpu.vector_load %arg7[%get3A_237] {strides = array<i32>} : memref<512xi32, #tpu.memory_space<vmem>>, vector<16xi32>,
    %get3A_239 = vector.shape_cast %get3A_238 : vector<16xi32> to vector<16xi32>
    %ne3A_240 = arith.constant 0 : i32
    %ne3A_241 = vector.broadcast %ne3A_240 : i32 to vector<16xi32>
    %ne3A_242 = arith.cmpi ne, %get3A_239, %ne3A_241 : vector<16xi32>
    %get3A_243 = arith.constant 240 : index
    %get3A_244 = tpu.vector_load %arg6[%get3A_243] {strides = array<i32>} : memref<512xi32, #tpu.memory_space<vmem>>, vector<16xi32>,
    %get3A_245 = vector.shape_cast %get3A_244 : vector<16xi32> to vector<16xi32>
    %jit3A_246 = arith.constant 1000000 : i32
    %broadcast_in_dim3A_247 = vector.broadcast %jit3A_246 : i32 to vector<16xi32>
    %select_n3A_248 = arith.select %ne3A_242, %broadcast_in_dim3A_247, %get3A_245 : vector<16xi1>, vector<16xi32>
    %swap3A_249 = arith.constant 240 : index
    %swap3A_250 = tpu.vector_load %arg6[%swap3A_249] {strides = array<i32>} : memref<512xi32, #tpu.memory_space<vmem>>, vector<16xi32>,
    %swap3A_251 = vector.shape_cast %swap3A_250 : vector<16xi32> to vector<16xi32>
    %swap3A_252 = vector.shape_cast %select_n3A_248 : vector<16xi32> to vector<16xi32>
    tpu.vector_store %arg6[%swap3A_249], %swap3A_252 {strides = array<i32>} : memref<512xi32, #tpu.memory_space<vmem>>, vector<16xi32>,
    %get3A_253 = arith.constant 256 : index
    %get3A_254 = tpu.vector_load %arg7[%get3A_253] {strides = array<i32>} : memref<512xi32, #tpu.memory_space<vmem>>, vector<16xi32>,
    %get3A_255 = vector.shape_cast %get3A_254 : vector<16xi32> to vector<16xi32>
    %ne3A_256 = arith.constant 0 : i32
    %ne3A_257 = vector.broadcast %ne3A_256 : i32 to vector<16xi32>
    %ne3A_258 = arith.cmpi ne, %get3A_255, %ne3A_257 : vector<16xi32>
    %get3A_259 = arith.constant 256 : index
    %get3A_260 = tpu.vector_load %arg6[%get3A_259] {strides = array<i32>} : memref<512xi32, #tpu.memory_space<vmem>>, vector<16xi32>,
    %get3A_261 = vector.shape_cast %get3A_260 : vector<16xi32> to vector<16xi32>
    %jit3A_262 = arith.constant 1000000 : i32
    %broadcast_in_dim3A_263 = vector.broadcast %jit3A_262 : i32 to vector<16xi32>
    %select_n3A_264 = arith.select %ne3A_258, %broadcast_in_dim3A_263, %get3A_261 : vector<16xi1>, vector<16xi32>
    %swap3A_265 = arith.constant 256 : index
    %swap3A_266 = tpu.vector_load %arg6[%swap3A_265] {strides = array<i32>} : memref<512xi32, #tpu.memory_space<vmem>>, vector<16xi32>,
    %swap3A_267 = vector.shape_cast %swap3A_266 : vector<16xi32> to vector<16xi32>
    %swap3A_268 = vector.shape_cast %select_n3A_264 : vector<16xi32> to vector<16xi32>
    tpu.vector_store %arg6[%swap3A_265], %swap3A_268 {strides = array<i32>} : memref<512xi32, #tpu.memory_space<vmem>>, vector<16xi32>,
    %get3A_269 = arith.constant 272 : index
    %get3A_270 = tpu.vector_load %arg7[%get3A_269] {strides = array<i32>} : memref<512xi32, #tpu.memory_space<vmem>>, vector<16xi32>,
    %get3A_271 = vector.shape_cast %get3A_270 : vector<16xi32> to vector<16xi32>
    %ne3A_272 = arith.constant 0 : i32
    %ne3A_273 = vector.broadcast %ne3A_272 : i32 to vector<16xi32>
    %ne3A_274 = arith.cmpi ne, %get3A_271, %ne3A_273 : vector<16xi32>
    %get3A_275 = arith.constant 272 : index
    %get3A_276 = tpu.vector_load %arg6[%get3A_275] {strides = array<i32>} : memref<512xi32, #tpu.memory_space<vmem>>, vector<16xi32>,
    %get3A_277 = vector.shape_cast %get3A_276 : vector<16xi32> to vector<16xi32>
    %jit3A_278 = arith.constant 1000000 : i32
    %broadcast_in_dim3A_279 = vector.broadcast %jit3A_278 : i32 to vector<16xi32>
    %select_n3A_280 = arith.select %ne3A_274, %broadcast_in_dim3A_279, %get3A_277 : vector<16xi1>, vector<16xi32>
    %swap3A_281 = arith.constant 272 : index
    %swap3A_282 = tpu.vector_load %arg6[%swap3A_281] {strides = array<i32>} : memref<512xi32, #tpu.memory_space<vmem>>, vector<16xi32>,
    %swap3A_283 = vector.shape_cast %swap3A_282 : vector<16xi32> to vector<16xi32>
    %swap3A_284 = vector.shape_cast %select_n3A_280 : vector<16xi32> to vector<16xi32>
    tpu.vector_store %arg6[%swap3A_281], %swap3A_284 {strides = array<i32>} : memref<512xi32, #tpu.memory_space<vmem>>, vector<16xi32>,
    %get3A_285 = arith.constant 288 : index
    %get3A_286 = tpu.vector_load %arg7[%get3A_285] {strides = array<i32>} : memref<512xi32, #tpu.memory_space<vmem>>, vector<16xi32>,
    %get3A_287 = vector.shape_cast %get3A_286 : vector<16xi32> to vector<16xi32>
    %ne3A_288 = arith.constant 0 : i32
    %ne3A_289 = vector.broadcast %ne3A_288 : i32 to vector<16xi32>
    %ne3A_290 = arith.cmpi ne, %get3A_287, %ne3A_289 : vector<16xi32>
    %get3A_291 = arith.constant 288 : index
    %get3A_292 = tpu.vector_load %arg6[%get3A_291] {strides = array<i32>} : memref<512xi32, #tpu.memory_space<vmem>>, vector<16xi32>,
    %get3A_293 = vector.shape_cast %get3A_292 : vector<16xi32> to vector<16xi32>
    %jit3A_294 = arith.constant 1000000 : i32
    %broadcast_in_dim3A_295 = vector.broadcast %jit3A_294 : i32 to vector<16xi32>
    %select_n3A_296 = arith.select %ne3A_290, %broadcast_in_dim3A_295, %get3A_293 : vector<16xi1>, vector<16xi32>
    %swap3A_297 = arith.constant 288 : index
    %swap3A_298 = tpu.vector_load %arg6[%swap3A_297] {strides = array<i32>} : memref<512xi32, #tpu.memory_space<vmem>>, vector<16xi32>,
    %swap3A_299 = vector.shape_cast %swap3A_298 : vector<16xi32> to vector<16xi32>
    %swap3A_300 = vector.shape_cast %select_n3A_296 : vector<16xi32> to vector<16xi32>
    tpu.vector_store %arg6[%swap3A_297], %swap3A_300 {strides = array<i32>} : memref<512xi32, #tpu.memory_space<vmem>>, vector<16xi32>,
    %get3A_301 = arith.constant 304 : index
    %get3A_302 = tpu.vector_load %arg7[%get3A_301] {strides = array<i32>} : memref<512xi32, #tpu.memory_space<vmem>>, vector<16xi32>,
    %get3A_303 = vector.shape_cast %get3A_302 : vector<16xi32> to vector<16xi32>
    %ne3A_304 = arith.constant 0 : i32
    %ne3A_305 = vector.broadcast %ne3A_304 : i32 to vector<16xi32>
    %ne3A_306 = arith.cmpi ne, %get3A_303, %ne3A_305 : vector<16xi32>
    %get3A_307 = arith.constant 304 : index
    %get3A_308 = tpu.vector_load %arg6[%get3A_307] {strides = array<i32>} : memref<512xi32, #tpu.memory_space<vmem>>, vector<16xi32>,
    %get3A_309 = vector.shape_cast %get3A_308 : vector<16xi32> to vector<16xi32>
    %jit3A_310 = arith.constant 1000000 : i32
    %broadcast_in_dim3A_311 = vector.broadcast %jit3A_310 : i32 to vector<16xi32>
    %select_n3A_312 = arith.select %ne3A_306, %broadcast_in_dim3A_311, %get3A_309 : vector<16xi1>, vector<16xi32>
    %swap3A_313 = arith.constant 304 : index
    %swap3A_314 = tpu.vector_load %arg6[%swap3A_313] {strides = array<i32>} : memref<512xi32, #tpu.memory_space<vmem>>, vector<16xi32>,
    %swap3A_315 = vector.shape_cast %swap3A_314 : vector<16xi32> to vector<16xi32>
    %swap3A_316 = vector.shape_cast %select_n3A_312 : vector<16xi32> to vector<16xi32>
    tpu.vector_store %arg6[%swap3A_313], %swap3A_316 {strides = array<i32>} : memref<512xi32, #tpu.memory_space<vmem>>, vector<16xi32>,
    %get3A_317 = arith.constant 320 : index
    %get3A_318 = tpu.vector_load %arg7[%get3A_317] {strides = array<i32>} : memref<512xi32, #tpu.memory_space<vmem>>, vector<16xi32>,
    %get3A_319 = vector.shape_cast %get3A_318 : vector<16xi32> to vector<16xi32>
    %ne3A_320 = arith.constant 0 : i32
    %ne3A_321 = vector.broadcast %ne3A_320 : i32 to vector<16xi32>
    %ne3A_322 = arith.cmpi ne, %get3A_319, %ne3A_321 : vector<16xi32>
    %get3A_323 = arith.constant 320 : index
    %get3A_324 = tpu.vector_load %arg6[%get3A_323] {strides = array<i32>} : memref<512xi32, #tpu.memory_space<vmem>>, vector<16xi32>,
    %get3A_325 = vector.shape_cast %get3A_324 : vector<16xi32> to vector<16xi32>
    %jit3A_326 = arith.constant 1000000 : i32
    %broadcast_in_dim3A_327 = vector.broadcast %jit3A_326 : i32 to vector<16xi32>
    %select_n3A_328 = arith.select %ne3A_322, %broadcast_in_dim3A_327, %get3A_325 : vector<16xi1>, vector<16xi32>
    %swap3A_329 = arith.constant 320 : index
    %swap3A_330 = tpu.vector_load %arg6[%swap3A_329] {strides = array<i32>} : memref<512xi32, #tpu.memory_space<vmem>>, vector<16xi32>,
    %swap3A_331 = vector.shape_cast %swap3A_330 : vector<16xi32> to vector<16xi32>
    %swap3A_332 = vector.shape_cast %select_n3A_328 : vector<16xi32> to vector<16xi32>
    tpu.vector_store %arg6[%swap3A_329], %swap3A_332 {strides = array<i32>} : memref<512xi32, #tpu.memory_space<vmem>>, vector<16xi32>,
    %get3A_333 = arith.constant 336 : index
    %get3A_334 = tpu.vector_load %arg7[%get3A_333] {strides = array<i32>} : memref<512xi32, #tpu.memory_space<vmem>>, vector<16xi32>,
    %get3A_335 = vector.shape_cast %get3A_334 : vector<16xi32> to vector<16xi32>
    %ne3A_336 = arith.constant 0 : i32
    %ne3A_337 = vector.broadcast %ne3A_336 : i32 to vector<16xi32>
    %ne3A_338 = arith.cmpi ne, %get3A_335, %ne3A_337 : vector<16xi32>
    %get3A_339 = arith.constant 336 : index
    %get3A_340 = tpu.vector_load %arg6[%get3A_339] {strides = array<i32>} : memref<512xi32, #tpu.memory_space<vmem>>, vector<16xi32>,
    %get3A_341 = vector.shape_cast %get3A_340 : vector<16xi32> to vector<16xi32>
    %jit3A_342 = arith.constant 1000000 : i32
    %broadcast_in_dim3A_343 = vector.broadcast %jit3A_342 : i32 to vector<16xi32>
    %select_n3A_344 = arith.select %ne3A_338, %broadcast_in_dim3A_343, %get3A_341 : vector<16xi1>, vector<16xi32>
    %swap3A_345 = arith.constant 336 : index
    %swap3A_346 = tpu.vector_load %arg6[%swap3A_345] {strides = array<i32>} : memref<512xi32, #tpu.memory_space<vmem>>, vector<16xi32>,
    %swap3A_347 = vector.shape_cast %swap3A_346 : vector<16xi32> to vector<16xi32>
    %swap3A_348 = vector.shape_cast %select_n3A_344 : vector<16xi32> to vector<16xi32>
    tpu.vector_store %arg6[%swap3A_345], %swap3A_348 {strides = array<i32>} : memref<512xi32, #tpu.memory_space<vmem>>, vector<16xi32>,
    %get3A_349 = arith.constant 352 : index
    %get3A_350 = tpu.vector_load %arg7[%get3A_349] {strides = array<i32>} : memref<512xi32, #tpu.memory_space<vmem>>, vector<16xi32>,
    %get3A_351 = vector.shape_cast %get3A_350 : vector<16xi32> to vector<16xi32>
    %ne3A_352 = arith.constant 0 : i32
    %ne3A_353 = vector.broadcast %ne3A_352 : i32 to vector<16xi32>
    %ne3A_354 = arith.cmpi ne, %get3A_351, %ne3A_353 : vector<16xi32>
    %get3A_355 = arith.constant 352 : index
    %get3A_356 = tpu.vector_load %arg6[%get3A_355] {strides = array<i32>} : memref<512xi32, #tpu.memory_space<vmem>>, vector<16xi32>,
    %get3A_357 = vector.shape_cast %get3A_356 : vector<16xi32> to vector<16xi32>
    %jit3A_358 = arith.constant 1000000 : i32
    %broadcast_in_dim3A_359 = vector.broadcast %jit3A_358 : i32 to vector<16xi32>
    %select_n3A_360 = arith.select %ne3A_354, %broadcast_in_dim3A_359, %get3A_357 : vector<16xi1>, vector<16xi32>
    %swap3A_361 = arith.constant 352 : index
    %swap3A_362 = tpu.vector_load %arg6[%swap3A_361] {strides = array<i32>} : memref<512xi32, #tpu.memory_space<vmem>>, vector<16xi32>,
    %swap3A_363 = vector.shape_cast %swap3A_362 : vector<16xi32> to vector<16xi32>
    %swap3A_364 = vector.shape_cast %select_n3A_360 : vector<16xi32> to vector<16xi32>
    tpu.vector_store %arg6[%swap3A_361], %swap3A_364 {strides = array<i32>} : memref<512xi32, #tpu.memory_space<vmem>>, vector<16xi32>,
    %get3A_365 = arith.constant 368 : index
    %get3A_366 = tpu.vector_load %arg7[%get3A_365] {strides = array<i32>} : memref<512xi32, #tpu.memory_space<vmem>>, vector<16xi32>,
    %get3A_367 = vector.shape_cast %get3A_366 : vector<16xi32> to vector<16xi32>
    %ne3A_368 = arith.constant 0 : i32
    %ne3A_369 = vector.broadcast %ne3A_368 : i32 to vector<16xi32>
    %ne3A_370 = arith.cmpi ne, %get3A_367, %ne3A_369 : vector<16xi32>
    %get3A_371 = arith.constant 368 : index
    %get3A_372 = tpu.vector_load %arg6[%get3A_371] {strides = array<i32>} : memref<512xi32, #tpu.memory_space<vmem>>, vector<16xi32>,
    %get3A_373 = vector.shape_cast %get3A_372 : vector<16xi32> to vector<16xi32>
    %jit3A_374 = arith.constant 1000000 : i32
    %broadcast_in_dim3A_375 = vector.broadcast %jit3A_374 : i32 to vector<16xi32>
    %select_n3A_376 = arith.select %ne3A_370, %broadcast_in_dim3A_375, %get3A_373 : vector<16xi1>, vector<16xi32>
    %swap3A_377 = arith.constant 368 : index
    %swap3A_378 = tpu.vector_load %arg6[%swap3A_377] {strides = array<i32>} : memref<512xi32, #tpu.memory_space<vmem>>, vector<16xi32>,
    %swap3A_379 = vector.shape_cast %swap3A_378 : vector<16xi32> to vector<16xi32>
    %swap3A_380 = vector.shape_cast %select_n3A_376 : vector<16xi32> to vector<16xi32>
    tpu.vector_store %arg6[%swap3A_377], %swap3A_380 {strides = array<i32>} : memref<512xi32, #tpu.memory_space<vmem>>, vector<16xi32>,
    %get3A_381 = arith.constant 384 : index
    %get3A_382 = tpu.vector_load %arg7[%get3A_381] {strides = array<i32>} : memref<512xi32, #tpu.memory_space<vmem>>, vector<16xi32>,
    %get3A_383 = vector.shape_cast %get3A_382 : vector<16xi32> to vector<16xi32>
    %ne3A_384 = arith.constant 0 : i32
    %ne3A_385 = vector.broadcast %ne3A_384 : i32 to vector<16xi32>
    %ne3A_386 = arith.cmpi ne, %get3A_383, %ne3A_385 : vector<16xi32>
    %get3A_387 = arith.constant 384 : index
    %get3A_388 = tpu.vector_load %arg6[%get3A_387] {strides = array<i32>} : memref<512xi32, #tpu.memory_space<vmem>>, vector<16xi32>,
    %get3A_389 = vector.shape_cast %get3A_388 : vector<16xi32> to vector<16xi32>
    %jit3A_390 = arith.constant 1000000 : i32
    %broadcast_in_dim3A_391 = vector.broadcast %jit3A_390 : i32 to vector<16xi32>
    %select_n3A_392 = arith.select %ne3A_386, %broadcast_in_dim3A_391, %get3A_389 : vector<16xi1>, vector<16xi32>
    %swap3A_393 = arith.constant 384 : index
    %swap3A_394 = tpu.vector_load %arg6[%swap3A_393] {strides = array<i32>} : memref<512xi32, #tpu.memory_space<vmem>>, vector<16xi32>,
    %swap3A_395 = vector.shape_cast %swap3A_394 : vector<16xi32> to vector<16xi32>
    %swap3A_396 = vector.shape_cast %select_n3A_392 : vector<16xi32> to vector<16xi32>
    tpu.vector_store %arg6[%swap3A_393], %swap3A_396 {strides = array<i32>} : memref<512xi32, #tpu.memory_space<vmem>>, vector<16xi32>,
    %get3A_397 = arith.constant 400 : index
    %get3A_398 = tpu.vector_load %arg7[%get3A_397] {strides = array<i32>} : memref<512xi32, #tpu.memory_space<vmem>>, vector<16xi32>,
    %get3A_399 = vector.shape_cast %get3A_398 : vector<16xi32> to vector<16xi32>
    %ne3A_400 = arith.constant 0 : i32
    %ne3A_401 = vector.broadcast %ne3A_400 : i32 to vector<16xi32>
    %ne3A_402 = arith.cmpi ne, %get3A_399, %ne3A_401 : vector<16xi32>
    %get3A_403 = arith.constant 400 : index
    %get3A_404 = tpu.vector_load %arg6[%get3A_403] {strides = array<i32>} : memref<512xi32, #tpu.memory_space<vmem>>, vector<16xi32>,
    %get3A_405 = vector.shape_cast %get3A_404 : vector<16xi32> to vector<16xi32>
    %jit3A_406 = arith.constant 1000000 : i32
    %broadcast_in_dim3A_407 = vector.broadcast %jit3A_406 : i32 to vector<16xi32>
    %select_n3A_408 = arith.select %ne3A_402, %broadcast_in_dim3A_407, %get3A_405 : vector<16xi1>, vector<16xi32>
    %swap3A_409 = arith.constant 400 : index
    %swap3A_410 = tpu.vector_load %arg6[%swap3A_409] {strides = array<i32>} : memref<512xi32, #tpu.memory_space<vmem>>, vector<16xi32>,
    %swap3A_411 = vector.shape_cast %swap3A_410 : vector<16xi32> to vector<16xi32>
    %swap3A_412 = vector.shape_cast %select_n3A_408 : vector<16xi32> to vector<16xi32>
    tpu.vector_store %arg6[%swap3A_409], %swap3A_412 {strides = array<i32>} : memref<512xi32, #tpu.memory_space<vmem>>, vector<16xi32>,
    %get3A_413 = arith.constant 416 : index
    %get3A_414 = tpu.vector_load %arg7[%get3A_413] {strides = array<i32>} : memref<512xi32, #tpu.memory_space<vmem>>, vector<16xi32>,
    %get3A_415 = vector.shape_cast %get3A_414 : vector<16xi32> to vector<16xi32>
    %ne3A_416 = arith.constant 0 : i32
    %ne3A_417 = vector.broadcast %ne3A_416 : i32 to vector<16xi32>
    %ne3A_418 = arith.cmpi ne, %get3A_415, %ne3A_417 : vector<16xi32>
    %get3A_419 = arith.constant 416 : index
    %get3A_420 = tpu.vector_load %arg6[%get3A_419] {strides = array<i32>} : memref<512xi32, #tpu.memory_space<vmem>>, vector<16xi32>,
    %get3A_421 = vector.shape_cast %get3A_420 : vector<16xi32> to vector<16xi32>
    %jit3A_422 = arith.constant 1000000 : i32
    %broadcast_in_dim3A_423 = vector.broadcast %jit3A_422 : i32 to vector<16xi32>
    %select_n3A_424 = arith.select %ne3A_418, %broadcast_in_dim3A_423, %get3A_421 : vector<16xi1>, vector<16xi32>
    %swap3A_425 = arith.constant 416 : index
    %swap3A_426 = tpu.vector_load %arg6[%swap3A_425] {strides = array<i32>} : memref<512xi32, #tpu.memory_space<vmem>>, vector<16xi32>,
    %swap3A_427 = vector.shape_cast %swap3A_426 : vector<16xi32> to vector<16xi32>
    %swap3A_428 = vector.shape_cast %select_n3A_424 : vector<16xi32> to vector<16xi32>
    tpu.vector_store %arg6[%swap3A_425], %swap3A_428 {strides = array<i32>} : memref<512xi32, #tpu.memory_space<vmem>>, vector<16xi32>,
    %get3A_429 = arith.constant 432 : index
    %get3A_430 = tpu.vector_load %arg7[%get3A_429] {strides = array<i32>} : memref<512xi32, #tpu.memory_space<vmem>>, vector<16xi32>,
    %get3A_431 = vector.shape_cast %get3A_430 : vector<16xi32> to vector<16xi32>
    %ne3A_432 = arith.constant 0 : i32
    %ne3A_433 = vector.broadcast %ne3A_432 : i32 to vector<16xi32>
    %ne3A_434 = arith.cmpi ne, %get3A_431, %ne3A_433 : vector<16xi32>
    %get3A_435 = arith.constant 432 : index
    %get3A_436 = tpu.vector_load %arg6[%get3A_435] {strides = array<i32>} : memref<512xi32, #tpu.memory_space<vmem>>, vector<16xi32>,
    %get3A_437 = vector.shape_cast %get3A_436 : vector<16xi32> to vector<16xi32>
    %jit3A_438 = arith.constant 1000000 : i32
    %broadcast_in_dim3A_439 = vector.broadcast %jit3A_438 : i32 to vector<16xi32>
    %select_n3A_440 = arith.select %ne3A_434, %broadcast_in_dim3A_439, %get3A_437 : vector<16xi1>, vector<16xi32>
    %swap3A_441 = arith.constant 432 : index
    %swap3A_442 = tpu.vector_load %arg6[%swap3A_441] {strides = array<i32>} : memref<512xi32, #tpu.memory_space<vmem>>, vector<16xi32>,
    %swap3A_443 = vector.shape_cast %swap3A_442 : vector<16xi32> to vector<16xi32>
    %swap3A_444 = vector.shape_cast %select_n3A_440 : vector<16xi32> to vector<16xi32>
    tpu.vector_store %arg6[%swap3A_441], %swap3A_444 {strides = array<i32>} : memref<512xi32, #tpu.memory_space<vmem>>, vector<16xi32>,
    %get3A_445 = arith.constant 448 : index
    %get3A_446 = tpu.vector_load %arg7[%get3A_445] {strides = array<i32>} : memref<512xi32, #tpu.memory_space<vmem>>, vector<16xi32>,
    %get3A_447 = vector.shape_cast %get3A_446 : vector<16xi32> to vector<16xi32>
    %ne3A_448 = arith.constant 0 : i32
    %ne3A_449 = vector.broadcast %ne3A_448 : i32 to vector<16xi32>
    %ne3A_450 = arith.cmpi ne, %get3A_447, %ne3A_449 : vector<16xi32>
    %get3A_451 = arith.constant 448 : index
    %get3A_452 = tpu.vector_load %arg6[%get3A_451] {strides = array<i32>} : memref<512xi32, #tpu.memory_space<vmem>>, vector<16xi32>,
    %get3A_453 = vector.shape_cast %get3A_452 : vector<16xi32> to vector<16xi32>
    %jit3A_454 = arith.constant 1000000 : i32
    %broadcast_in_dim3A_455 = vector.broadcast %jit3A_454 : i32 to vector<16xi32>
    %select_n3A_456 = arith.select %ne3A_450, %broadcast_in_dim3A_455, %get3A_453 : vector<16xi1>, vector<16xi32>
    %swap3A_457 = arith.constant 448 : index
    %swap3A_458 = tpu.vector_load %arg6[%swap3A_457] {strides = array<i32>} : memref<512xi32, #tpu.memory_space<vmem>>, vector<16xi32>,
    %swap3A_459 = vector.shape_cast %swap3A_458 : vector<16xi32> to vector<16xi32>
    %swap3A_460 = vector.shape_cast %select_n3A_456 : vector<16xi32> to vector<16xi32>
    tpu.vector_store %arg6[%swap3A_457], %swap3A_460 {strides = array<i32>} : memref<512xi32, #tpu.memory_space<vmem>>, vector<16xi32>,
    %get3A_461 = arith.constant 464 : index
    %get3A_462 = tpu.vector_load %arg7[%get3A_461] {strides = array<i32>} : memref<512xi32, #tpu.memory_space<vmem>>, vector<16xi32>,
    %get3A_463 = vector.shape_cast %get3A_462 : vector<16xi32> to vector<16xi32>
    %ne3A_464 = arith.constant 0 : i32
    %ne3A_465 = vector.broadcast %ne3A_464 : i32 to vector<16xi32>
    %ne3A_466 = arith.cmpi ne, %get3A_463, %ne3A_465 : vector<16xi32>
    %get3A_467 = arith.constant 464 : index
    %get3A_468 = tpu.vector_load %arg6[%get3A_467] {strides = array<i32>} : memref<512xi32, #tpu.memory_space<vmem>>, vector<16xi32>,
    %get3A_469 = vector.shape_cast %get3A_468 : vector<16xi32> to vector<16xi32>
    %jit3A_470 = arith.constant 1000000 : i32
    %broadcast_in_dim3A_471 = vector.broadcast %jit3A_470 : i32 to vector<16xi32>
    %select_n3A_472 = arith.select %ne3A_466, %broadcast_in_dim3A_471, %get3A_469 : vector<16xi1>, vector<16xi32>
    %swap3A_473 = arith.constant 464 : index
    %swap3A_474 = tpu.vector_load %arg6[%swap3A_473] {strides = array<i32>} : memref<512xi32, #tpu.memory_space<vmem>>, vector<16xi32>,
    %swap3A_475 = vector.shape_cast %swap3A_474 : vector<16xi32> to vector<16xi32>
    %swap3A_476 = vector.shape_cast %select_n3A_472 : vector<16xi32> to vector<16xi32>
    tpu.vector_store %arg6[%swap3A_473], %swap3A_476 {strides = array<i32>} : memref<512xi32, #tpu.memory_space<vmem>>, vector<16xi32>,
    %get3A_477 = arith.constant 480 : index
    %get3A_478 = tpu.vector_load %arg7[%get3A_477] {strides = array<i32>} : memref<512xi32, #tpu.memory_space<vmem>>, vector<16xi32>,
    %get3A_479 = vector.shape_cast %get3A_478 : vector<16xi32> to vector<16xi32>
    %ne3A_480 = arith.constant 0 : i32
    %ne3A_481 = vector.broadcast %ne3A_480 : i32 to vector<16xi32>
    %ne3A_482 = arith.cmpi ne, %get3A_479, %ne3A_481 : vector<16xi32>
    %get3A_483 = arith.constant 480 : index
    %get3A_484 = tpu.vector_load %arg6[%get3A_483] {strides = array<i32>} : memref<512xi32, #tpu.memory_space<vmem>>, vector<16xi32>,
    %get3A_485 = vector.shape_cast %get3A_484 : vector<16xi32> to vector<16xi32>
    %jit3A_486 = arith.constant 1000000 : i32
    %broadcast_in_dim3A_487 = vector.broadcast %jit3A_486 : i32 to vector<16xi32>
    %select_n3A_488 = arith.select %ne3A_482, %broadcast_in_dim3A_487, %get3A_485 : vector<16xi1>, vector<16xi32>
    %swap3A_489 = arith.constant 480 : index
    %swap3A_490 = tpu.vector_load %arg6[%swap3A_489] {strides = array<i32>} : memref<512xi32, #tpu.memory_space<vmem>>, vector<16xi32>,
    %swap3A_491 = vector.shape_cast %swap3A_490 : vector<16xi32> to vector<16xi32>
    %swap3A_492 = vector.shape_cast %select_n3A_488 : vector<16xi32> to vector<16xi32>
    tpu.vector_store %arg6[%swap3A_489], %swap3A_492 {strides = array<i32>} : memref<512xi32, #tpu.memory_space<vmem>>, vector<16xi32>,
    %get3A_493 = arith.constant 496 : index
    %get3A_494 = tpu.vector_load %arg7[%get3A_493] {strides = array<i32>} : memref<512xi32, #tpu.memory_space<vmem>>, vector<16xi32>,
    %get3A_495 = vector.shape_cast %get3A_494 : vector<16xi32> to vector<16xi32>
    %ne3A_496 = arith.constant 0 : i32
    %ne3A_497 = vector.broadcast %ne3A_496 : i32 to vector<16xi32>
    %ne3A_498 = arith.cmpi ne, %get3A_495, %ne3A_497 : vector<16xi32>
    %get3A_499 = arith.constant 496 : index
    %get3A_500 = tpu.vector_load %arg6[%get3A_499] {strides = array<i32>} : memref<512xi32, #tpu.memory_space<vmem>>, vector<16xi32>,
    %get3A_501 = vector.shape_cast %get3A_500 : vector<16xi32> to vector<16xi32>
    %jit3A_502 = arith.constant 1000000 : i32
    %broadcast_in_dim3A_503 = vector.broadcast %jit3A_502 : i32 to vector<16xi32>
    %select_n3A_504 = arith.select %ne3A_498, %broadcast_in_dim3A_503, %get3A_501 : vector<16xi1>, vector<16xi32>
    %swap3A_505 = arith.constant 496 : index
    %swap3A_506 = tpu.vector_load %arg6[%swap3A_505] {strides = array<i32>} : memref<512xi32, #tpu.memory_space<vmem>>, vector<16xi32>,
    %swap3A_507 = vector.shape_cast %swap3A_506 : vector<16xi32> to vector<16xi32>
    %swap3A_508 = vector.shape_cast %select_n3A_504 : vector<16xi32> to vector<16xi32>
    tpu.vector_store %arg6[%swap3A_505], %swap3A_508 {strides = array<i32>} : memref<512xi32, #tpu.memory_space<vmem>>, vector<16xi32>,
    %dma_start3A = arith.constant 0 : i32
    %dma_start3A_509 = arith.constant 0 : i32
    %dma_start3A_510 = tpu.memref_slice %arg8[%dma_start3A, %dma_start3A_509] : memref<512x128xf32, #tpu.memory_space<vmem>> -> memref<128x128xf32, #tpu.memory_space<vmem>>
    %dma_start3A_511 = arith.constant 0 : i32
    %dma_start3A_512 = tpu.memref_slice %arg6[%dma_start3A_511] : memref<512xi32, #tpu.memory_space<vmem>> -> memref<128xi32, #tpu.memory_space<vmem>>
    %dma_start3A_513 = arith.constant 0 : i32
    %dma_start3A_514 = arith.constant 0 : i32
    %dma_start3A_515 = tpu.memref_slice %arg2[%dma_start3A_513, %dma_start3A_514] : memref<1001472x128xf32, #tpu.memory_space<hbm>> -> memref<1001472x128xf32, #tpu.memory_space<hbm>>
    tpu.enqueue_indirect_dma source(%dma_start3A_515 : memref<1001472x128xf32, #tpu.memory_space<hbm>>) target(%dma_start3A_510 : memref<128x128xf32, #tpu.memory_space<vmem>>) offsets(%dma_start3A_512 : memref<128xi32, #tpu.memory_space<vmem>>) semaphore(%arg9 : memref<!tpu.dma_semaphore, #tpu.memory_space<semaphore_mem>>)
    %dma_start3A_516 = arith.constant 128 : i32
    %dma_start3A_517 = arith.constant 0 : i32
    %dma_start3A_518 = tpu.memref_slice %arg8[%dma_start3A_516, %dma_start3A_517] : memref<512x128xf32, #tpu.memory_space<vmem>> -> memref<128x128xf32, #tpu.memory_space<vmem>>
    %dma_start3A_519 = arith.constant 128 : i32
    %dma_start3A_520 = tpu.memref_slice %arg6[%dma_start3A_519] : memref<512xi32, #tpu.memory_space<vmem>> -> memref<128xi32, #tpu.memory_space<vmem>>
    %dma_start3A_521 = arith.constant 0 : i32
    %dma_start3A_522 = arith.constant 0 : i32
    %dma_start3A_523 = tpu.memref_slice %arg2[%dma_start3A_521, %dma_start3A_522] : memref<1001472x128xf32, #tpu.memory_space<hbm>> -> memref<1001472x128xf32, #tpu.memory_space<hbm>>
    tpu.enqueue_indirect_dma source(%dma_start3A_523 : memref<1001472x128xf32, #tpu.memory_space<hbm>>) target(%dma_start3A_518 : memref<128x128xf32, #tpu.memory_space<vmem>>) offsets(%dma_start3A_520 : memref<128xi32, #tpu.memory_space<vmem>>) semaphore(%arg9 : memref<!tpu.dma_semaphore, #tpu.memory_space<semaphore_mem>>)
    %dma_start3A_524 = arith.constant 256 : i32
    %dma_start3A_525 = arith.constant 0 : i32
    %dma_start3A_526 = tpu.memref_slice %arg8[%dma_start3A_524, %dma_start3A_525] : memref<512x128xf32, #tpu.memory_space<vmem>> -> memref<128x128xf32, #tpu.memory_space<vmem>>
    %dma_start3A_527 = arith.constant 256 : i32
    %dma_start3A_528 = tpu.memref_slice %arg6[%dma_start3A_527] : memref<512xi32, #tpu.memory_space<vmem>> -> memref<128xi32, #tpu.memory_space<vmem>>
    %dma_start3A_529 = arith.constant 0 : i32
    %dma_start3A_530 = arith.constant 0 : i32
    %dma_start3A_531 = tpu.memref_slice %arg2[%dma_start3A_529, %dma_start3A_530] : memref<1001472x128xf32, #tpu.memory_space<hbm>> -> memref<1001472x128xf32, #tpu.memory_space<hbm>>
    tpu.enqueue_indirect_dma source(%dma_start3A_531 : memref<1001472x128xf32, #tpu.memory_space<hbm>>) target(%dma_start3A_526 : memref<128x128xf32, #tpu.memory_space<vmem>>) offsets(%dma_start3A_528 : memref<128xi32, #tpu.memory_space<vmem>>) semaphore(%arg9 : memref<!tpu.dma_semaphore, #tpu.memory_space<semaphore_mem>>)
    %dma_start3A_532 = arith.constant 384 : i32
    %dma_start3A_533 = arith.constant 0 : i32
    %dma_start3A_534 = tpu.memref_slice %arg8[%dma_start3A_532, %dma_start3A_533] : memref<512x128xf32, #tpu.memory_space<vmem>> -> memref<128x128xf32, #tpu.memory_space<vmem>>
    %dma_start3A_535 = arith.constant 384 : i32
    %dma_start3A_536 = tpu.memref_slice %arg6[%dma_start3A_535] : memref<512xi32, #tpu.memory_space<vmem>> -> memref<128xi32, #tpu.memory_space<vmem>>
    %dma_start3A_537 = arith.constant 0 : i32
    %dma_start3A_538 = arith.constant 0 : i32
    %dma_start3A_539 = tpu.memref_slice %arg2[%dma_start3A_537, %dma_start3A_538] : memref<1001472x128xf32, #tpu.memory_space<hbm>> -> memref<1001472x128xf32, #tpu.memory_space<hbm>>
    tpu.enqueue_indirect_dma source(%dma_start3A_539 : memref<1001472x128xf32, #tpu.memory_space<hbm>>) target(%dma_start3A_534 : memref<128x128xf32, #tpu.memory_space<vmem>>) offsets(%dma_start3A_536 : memref<128xi32, #tpu.memory_space<vmem>>) semaphore(%arg9 : memref<!tpu.dma_semaphore, #tpu.memory_space<semaphore_mem>>)
    %dma_wait3A = arith.constant 0 : i32
    %dma_wait3A_540 = arith.constant 0 : i32
    %dma_wait3A_541 = tpu.memref_slice %arg8[%dma_wait3A, %dma_wait3A_540] : memref<512x128xf32, #tpu.memory_space<vmem>> -> memref<128x128xf32, #tpu.memory_space<vmem>>
    %dma_wait3A_542 = arith.constant 0 : i32
    %dma_wait3A_543 = tpu.memref_slice %arg6[%dma_wait3A_542] : memref<512xi32, #tpu.memory_space<vmem>> -> memref<128xi32, #tpu.memory_space<vmem>>
    %dma_wait3A_544 = arith.constant 0 : i32
    %dma_wait3A_545 = arith.constant 0 : i32
    %dma_wait3A_546 = tpu.memref_slice %arg2[%dma_wait3A_544, %dma_wait3A_545] : memref<1001472x128xf32, #tpu.memory_space<hbm>> -> memref<1001472x128xf32, #tpu.memory_space<hbm>>
    tpu.wait_indirect_dma semaphore(%arg9 : memref<!tpu.dma_semaphore, #tpu.memory_space<semaphore_mem>>) src(%dma_wait3A_546 : memref<1001472x128xf32, #tpu.memory_space<hbm>>) dst(%dma_wait3A_541 : memref<128x128xf32, #tpu.memory_space<vmem>>)
    %dma_wait3A_547 = arith.constant 128 : i32
    %dma_wait3A_548 = arith.constant 0 : i32
    %dma_wait3A_549 = tpu.memref_slice %arg8[%dma_wait3A_547, %dma_wait3A_548] : memref<512x128xf32, #tpu.memory_space<vmem>> -> memref<128x128xf32, #tpu.memory_space<vmem>>
    %dma_wait3A_550 = arith.constant 128 : i32
    %dma_wait3A_551 = tpu.memref_slice %arg6[%dma_wait3A_550] : memref<512xi32, #tpu.memory_space<vmem>> -> memref<128xi32, #tpu.memory_space<vmem>>
    %dma_wait3A_552 = arith.constant 0 : i32
    %dma_wait3A_553 = arith.constant 0 : i32
    %dma_wait3A_554 = tpu.memref_slice %arg2[%dma_wait3A_552, %dma_wait3A_553] : memref<1001472x128xf32, #tpu.memory_space<hbm>> -> memref<1001472x128xf32, #tpu.memory_space<hbm>>
    tpu.wait_indirect_dma semaphore(%arg9 : memref<!tpu.dma_semaphore, #tpu.memory_space<semaphore_mem>>) src(%dma_wait3A_554 : memref<1001472x128xf32, #tpu.memory_space<hbm>>) dst(%dma_wait3A_549 : memref<128x128xf32, #tpu.memory_space<vmem>>)
    %dma_wait3A_555 = arith.constant 256 : i32
    %dma_wait3A_556 = arith.constant 0 : i32
    %dma_wait3A_557 = tpu.memref_slice %arg8[%dma_wait3A_555, %dma_wait3A_556] : memref<512x128xf32, #tpu.memory_space<vmem>> -> memref<128x128xf32, #tpu.memory_space<vmem>>
    %dma_wait3A_558 = arith.constant 256 : i32
    %dma_wait3A_559 = tpu.memref_slice %arg6[%dma_wait3A_558] : memref<512xi32, #tpu.memory_space<vmem>> -> memref<128xi32, #tpu.memory_space<vmem>>
    %dma_wait3A_560 = arith.constant 0 : i32
    %dma_wait3A_561 = arith.constant 0 : i32
    %dma_wait3A_562 = tpu.memref_slice %arg2[%dma_wait3A_560, %dma_wait3A_561] : memref<1001472x128xf32, #tpu.memory_space<hbm>> -> memref<1001472x128xf32, #tpu.memory_space<hbm>>
    tpu.wait_indirect_dma semaphore(%arg9 : memref<!tpu.dma_semaphore, #tpu.memory_space<semaphore_mem>>) src(%dma_wait3A_562 : memref<1001472x128xf32, #tpu.memory_space<hbm>>) dst(%dma_wait3A_557 : memref<128x128xf32, #tpu.memory_space<vmem>>)
    %dma_wait3A_563 = arith.constant 384 : i32
    %dma_wait3A_564 = arith.constant 0 : i32
    %dma_wait3A_565 = tpu.memref_slice %arg8[%dma_wait3A_563, %dma_wait3A_564] : memref<512x128xf32, #tpu.memory_space<vmem>> -> memref<128x128xf32, #tpu.memory_space<vmem>>
    %dma_wait3A_566 = arith.constant 384 : i32
    %dma_wait3A_567 = tpu.memref_slice %arg6[%dma_wait3A_566] : memref<512xi32, #tpu.memory_space<vmem>> -> memref<128xi32, #tpu.memory_space<vmem>>
    %dma_wait3A_568 = arith.constant 0 : i32
    %dma_wait3A_569 = arith.constant 0 : i32
    %dma_wait3A_570 = tpu.memref_slice %arg2[%dma_wait3A_568, %dma_wait3A_569] : memref<1001472x128xf32, #tpu.memory_space<hbm>> -> memref<1001472x128xf32, #tpu.memory_space<hbm>>
    tpu.wait_indirect_dma semaphore(%arg9 : memref<!tpu.dma_semaphore, #tpu.memory_space<semaphore_mem>>) src(%dma_wait3A_570 : memref<1001472x128xf32, #tpu.memory_space<hbm>>) dst(%dma_wait3A_565 : memref<128x128xf32, #tpu.memory_space<vmem>>)
    "tpu.region"() ({
      %run_scoped3A = tpu.sem_alloc : memref<!tpu.dma_semaphore, #tpu.memory_space<semaphore_mem>>
      %dma_start3A_571 = arith.constant 0 : i32
      %dma_start3A_572 = tpu.memref_slice %arg5[%mul3A_2, %dma_start3A_571] : memref<16384x128xf32, #tpu.memory_space<hbm>> -> memref<512x128xf32, #tpu.memory_space<hbm>>
      %dma_start3A_573 = arith.constant 0 : i32
      %dma_start3A_574 = tpu.memref_slice %arg5[%mul3A_2, %dma_start3A_573] : memref<16384x128xf32, #tpu.memory_space<hbm>> -> memref<512x128xf32, #tpu.memory_space<hbm>>
      tpu.enqueue_dma source(%arg8 : memref<512x128xf32, #tpu.memory_space<vmem>>) target(%dma_start3A_574 : memref<512x128xf32, #tpu.memory_space<hbm>>) target_semaphore(%run_scoped3A : memref<!tpu.dma_semaphore, #tpu.memory_space<semaphore_mem>>)
      %dma_wait3A_575 = arith.constant 0 : i32
      %dma_wait3A_576 = tpu.memref_slice %arg5[%mul3A_2, %dma_wait3A_575] : memref<16384x128xf32, #tpu.memory_space<hbm>> -> memref<512x128xf32, #tpu.memory_space<hbm>>
      %dma_wait3A_577 = arith.constant 0 : i32
      %dma_wait3A_578 = tpu.memref_slice %arg5[%mul3A_2, %dma_wait3A_577] : memref<16384x128xf32, #tpu.memory_space<hbm>> -> memref<512x128xf32, #tpu.memory_space<hbm>>
      tpu.wait_dma2 semaphore(%run_scoped3A : memref<!tpu.dma_semaphore, #tpu.memory_space<semaphore_mem>>) src(%arg8 : memref<512x128xf32, #tpu.memory_space<vmem>>) dst(%dma_wait3A_578 : memref<512x128xf32, #tpu.memory_space<hbm>>)
      tpu.yield
    }) : () -> ()
    return
  }
}

module attributes {stable_mosaic.version = 14 : i64} {
  func.func @_format_kernel(%arg0: i32, %arg1: memref<64x2048xf32, #tpu.memory_space<vmem>>, %arg2: memref<2048x128xf32, #tpu.memory_space<vmem>>) attributes {dimension_semantics = [#tpu.dimension_semantics<arbitrary>], iteration_bounds = array<i64: 489>, scalar_prefetch = 0 : i64, scratch_operands = 0 : i64, tpu.core_type = #tpu.core_type<tc>, window_params = [{transform_indices = @transform_0, window_bounds = array<i64: 64, 2048>}, {transform_indices = @transform_1, window_bounds = array<i64: 2048, 128>}]} {
    %iota3A = tpu.iota {dimensions = array<i32: 0>} : vector<64x64xi32>
    %iota3A_0 = tpu.iota {dimensions = array<i32: 1>} : vector<64x64xi32>
    %add3A = arith.constant 0 : i32
    %add3A_1 = vector.broadcast %add3A : i32 to vector<64x64xi32>
    %add3A_2 = arith.addi %iota3A, %add3A_1 : vector<64x64xi32>
    %eq3A = arith.cmpi eq, %add3A_2, %iota3A_0 : vector<64x64xi32>
    %convert_element_type3A = arith.extui %eq3A : vector<64x64xi1> to vector<64x64xi32>
    %convert_element_type3A_3 = arith.sitofp %convert_element_type3A : vector<64x64xi32> to vector<64x64xf32>
    %get3A = arith.constant 0 : index
    %get3A_4 = arith.constant 0 : index
    %get3A_5 = vector.load %arg1[%get3A, %get3A_4] : memref<64x2048xf32, #tpu.memory_space<vmem>>, vector<64x2048xf32>
    %dot_general3A = arith.constant dense<0.000000e+00> : vector<2048x64xf32>
    %dot_general3A_6 = tpu.matmul %get3A_5, %convert_element_type3A_3, %dot_general3A {dimension_numbers = #tpu.dot_dimension_numbers<[0], [0], [1], [1], [0, 1, 1, 1], [], []>, precision = #tpu.contract_precision<fp32>, transpose_lhs_hint = false} : vector<64x2048xf32>, vector<64x64xf32>, vector<2048x64xf32> -> vector<2048x64xf32>
    %broadcast_in_dim3A = arith.constant 0.000000e+00 : f32
    %broadcast_in_dim3A_7 = vector.broadcast %broadcast_in_dim3A : f32 to vector<2048x64xf32>
    %concatenate3A = tpu.concatenate %dot_general3A_6, %broadcast_in_dim3A_7 in 1 : vector<2048x64xf32>, vector<2048x64xf32> -> vector<2048x128xf32>
    %swap3A = arith.constant 0 : index
    %swap3A_8 = arith.constant 0 : index
    %swap3A_9 = vector.load %arg2[%swap3A, %swap3A_8] : memref<2048x128xf32, #tpu.memory_space<vmem>>, vector<2048x128xf32>
    tpu.vector_store %arg2[%swap3A, %swap3A_8], %concatenate3A {strides = array<i32>} : memref<2048x128xf32, #tpu.memory_space<vmem>>, vector<2048x128xf32>,
    return
  }
  func.func @transform_0(%arg0: i32) -> (i32, i32) {
    %c0_i32 = arith.constant 0 : i32
    %c0_i32_0 = arith.constant 0 : i32
    return %c0_i32, %arg0 : i32, i32
  }
  func.func @transform_1(%arg0: i32) -> (i32, i32) {
    %c0_i32 = arith.constant 0 : i32
    %c0_i32_0 = arith.constant 0 : i32
    return %arg0, %c0_i32 : i32, i32
  }
}

</mosaic_0001>

<sc_bundles>
// kernel: kernel.4.cloned.1.call-start
scs
__scs_entry_jumppad:
0x0: {  	(pc) =	sbr.rel $0x88, $3  }
0x1: {  	(tag) =	ssettag $0x0;
	lr =	simm.s32 $0x1  }
0x2: {  	[smem:$0x3F9F] =	sst lr;
	_ =	strace $0xD0000000  }
0x3: {  	_ = 	snop  }
0x4: {  	_ = 	snop  }
0x5: {  	_ = 	snop  }
0x6: {  	_ = 	snop  }
0x7: {  	_ = 	snop  }
__scs_overlays_trampoline_lowered:
0x8: {  	[smem:$0x3FAE] =	sst s0  }
0x9: {  	[smem:$0x3FAF] =	sst s1  }
0xa: {  	[smem:$0x3FB0] =	sst s2  }
0xb: {  	[smem:$0x3FB1] =	sst s3  }
0xc: {  	[smem:$0x3FB2] =	sst s4  }
0xd: {  	[smem:$0x3FB3] =	sst s5  }
0xe: {  	[smem:$0x3FB4] =	sst s6  }
0xf: {  	[smem:$0x3FB5] =	sst s7  }
0x10: {  	[smem:$0x3FB6] =	sst s8  }
0x11: {  	[smem:$0x3FB7] =	sst s9;
	s0 =	simm.s32 @!p0 $0x0  }
0x12: {  	s1 =	sld [smem:$0x3F9D];
	s0 =	simm.s32 @p0 $0x1  }
0x13: {  	[smem:$0x3FB8] =	sst s0;
	s0 =	simm.s32 @!p1 $0x0  }
0x14: {  	s2 =	sld [smem:$0x3F9C];
	s0 =	simm.s32 @p1 $0x1  }
0x15: {  	[smem:$0x3FB9] =	sst s0;
	s0 =	simm.s32 @!p2 $0x0  }
0x16: {  	s3 =	sld [smem:$0x3FDB];
	s0 =	simm.s32 @p2 $0x1  }
0x17: {  	s4 =	simm.s32 $0x1BF5;
	[smem:$0x3FBB] =	sst s0  }
0x18: {  	s0 =	sld [smem:$0x3F9E];
	_ =	swait.ge [sflag:s4], $0x0  }
0x19: {  	s7 =	sld [smem:$0x3F9F]  }
0x1a: {  	s8 =	sadd.s32 $0xFFFFE003, lr  }
0x1b: {  	s9 =	sadd.s32 $0xFFFFFEF7, lr;
	s5 =	simm.s32 $0xFFFFFFFF;
	p2 =	slt.u32 s8, $0xFFFFF086  }
0x1c: {  	p1 =	slt.u32 s9, $0xF7A;
	s5 =	simm.s32 @!p2 $0x0  }
0x1d: {  	s5 =	simm.s32 @p1 $0x1;
	p0 =	seq.s32 s7, s2  }
0x1e: {  	s7 =	smul.u32 @!p0 $0xF7A, s2;
	p2 =	seq.s32 @!p0 s5, $0x0  }
0x1f: {  	s9 =	smul.u32 $0xF7A, s1;
	s8 =	simm.s32 @!p0 $0x1BF5;
	p2 =	por !p2, p0  }
0x20: {  	[sflag:s8] =	ssyncset.s32 @!p0 $0xFFFFF086;
	s6 =	sadd.s32 @!p0 s3, s7;
	s7 =	simm.s32 @!p0 $0x108  }
0x21: {  	s3 =	sadd.s32 s3, s9;
	s6 =	sadd.s32 @!p0 $0x88, s6;
	s7 =	simm.s32 @p2 $0x1082  }
0x22: {  	[simem:s7], [sflag:s8] =	dma.local @!p0 [hbm:s6], $0xF7A  }
0x23: {  	s9 =	sor.u32 $0xD0000000, s2;
	s6 =	simm.s32 $0x108;
	_ =	swait.ge @!p0 [sflag:s8], $0x0  }
0x24: {  	s3 =	sadd.s32 $0x88, s3;
	s6 =	simm.s32 @!p1 $0x1082;
	[sflag:s4] =	ssyncset.s32 $0xFFFFF086  }
0x25: {  	[simem:s6], [sflag:s4] =	dma.local [hbm:s3], $0xF7A  }
0x26: {  	[smem:$0x3F9F] =	sst s1;
	(tag) =	ssettag s2;
	_ =	strace s9  }
0x27: {  	s1 =	sld [smem:$0x3FAF]  }
0x28: {  	s2 =	sld [smem:$0x3FB0]  }
0x29: {  	s4 =	sld [smem:$0x3FB2]  }
0x2a: {  	p0 =	seq.s32 s5, $0x0;
	s5 =	sld [smem:$0x3FB3]  }
0x2b: {  	s6 =	sld [smem:$0x3FB4]  }
0x2c: {  	s7 =	sld [smem:$0x3FB5]  }
0x2d: {  	s3 =	simm.s32 $0x108;
	s8 =	sld [smem:$0x3FB6]  }
0x2e: {  	s3 =	simm.s32 @!p0 $0x1082;
	s9 =	sld [smem:$0x3FB7]  }
0x2f: {  	lr =	sadd.s32 s0, s3;
	s0 =	sld [smem:$0x3FAE]  }
0x30: {  	s3 =	sld [smem:$0x3FB1]  }
0x31: {  	[smem:$0x3FBA] =	sst s10  }
0x32: {  	s10 =	sld [smem:$0x3FB8];
	_ =	sdelay $0x3  }
0x33: {  	p0 =	seq.s32 s10, $0x1;
	s10 =	sld [smem:$0x3FBA];
	_ =	sdelay $0x3  }
0x34: {  	[smem:$0x3FBA] =	sst s10  }
0x35: {  	s10 =	sld [smem:$0x3FB9];
	_ =	sdelay $0x3  }
0x36: {  	p1 =	seq.s32 s10, $0x1;
	s10 =	sld [smem:$0x3FBA];
	_ =	sdelay $0x3  }
0x37: {  	[smem:$0x3FBA] =	sst s10  }
0x38: {  	s10 =	sld [smem:$0x3FBB]  }
0x39: {  	_ = 	snop;
	(pc) =	sbr.ind lr, $3  }
0x3a: {  	_ = 	snop  }
0x3b: {  	_ = 	snop  }
0x3c: {  	p2 =	seq.s32 s10, $0x1;
	s10 =	sld [smem:$0x3FBA]  }
0x3d: {  	_ =	shalt  }
0x3e: {  	_ =	shalt  }
0x3f: {  	_ =	shalt  }
0x40: {  	_ =	shalt  }
0x41: {  	_ =	shalt  }
0x42: {  	_ =	shalt  }
0x43: {  	_ =	shalt  }
0x44: {  	_ =	shalt  }
0x45: {  	_ =	shalt  }
0x46: {  	_ =	shalt  }
0x47: {  	_ =	shalt  }
0x48: {  	_ =	shalt  }
0x49: {  	_ =	shalt  }
0x4a: {  	_ =	shalt  }
0x4b: {  	_ =	shalt  }
0x4c: {  	_ =	shalt  }
0x4d: {  	_ =	shalt  }
0x4e: {  	_ =	shalt  }
0x4f: {  	_ =	shalt  }
0x50: {  	_ =	shalt  }
0x51: {  	_ =	shalt  }
0x52: {  	_ =	shalt  }
0x53: {  	_ =	shalt  }
0x54: {  	_ =	shalt  }
0x55: {  	_ =	shalt  }
0x56: {  	_ =	shalt  }
0x57: {  	_ =	shalt  }
0x58: {  	_ =	shalt  }
0x59: {  	_ =	shalt  }
0x5a: {  	_ =	shalt  }
0x5b: {  	_ =	shalt  }
0x5c: {  	_ =	shalt  }
0x5d: {  	_ =	shalt  }
0x5e: {  	_ =	shalt  }
0x5f: {  	_ =	shalt  }
0x60: {  	_ =	shalt  }
0x61: {  	_ =	shalt  }
0x62: {  	_ =	shalt  }
0x63: {  	_ =	shalt  }
0x64: {  	_ =	shalt  }
0x65: {  	_ =	shalt  }
0x66: {  	_ =	shalt  }
0x67: {  	_ =	shalt  }
0x68: {  	_ =	shalt  }
0x69: {  	_ =	shalt  }
0x6a: {  	_ =	shalt  }
0x6b: {  	_ =	shalt  }
0x6c: {  	_ =	shalt  }
0x6d: {  	_ =	shalt  }
0x6e: {  	_ =	shalt  }
0x6f: {  	_ =	shalt  }
0x70: {  	_ =	shalt  }
0x71: {  	_ =	shalt  }
0x72: {  	_ =	shalt  }
0x73: {  	_ =	shalt  }
0x74: {  	_ =	shalt  }
0x75: {  	_ =	shalt  }
0x76: {  	_ =	shalt  }
0x77: {  	_ =	shalt  }
0x78: {  	_ =	shalt  }
0x79: {  	_ =	shalt  }
0x7a: {  	_ =	shalt  }
0x7b: {  	_ =	shalt  }
0x7c: {  	_ =	shalt  }
0x7d: {  	_ =	shalt  }
0x7e: {  	_ =	shalt  }
0x7f: {  	_ =	shalt  }
0x80: {  	_ =	shalt  }
0x81: {  	_ =	shalt  }
0x82: {  	_ =	shalt  }
0x83: {  	_ =	shalt  }
0x84: {  	_ =	shalt  }
0x85: {  	_ =	shalt  }
0x86: {  	_ =	shalt  }
0x87: {  	_ =	shalt  }
.Lfunc_end0:
.L_simem_size_0:
called_computation_lowered:
.L_overlay_start_0:
0x88: {  	s2 =	sld [smem:$0x3FD9]  }
0x89: {  	s3 =	sld [smem:$0x3FFE];
	_ =	sdelay $0x1  }
0x8a: {  	s1 =	srdreg.scid  }
0x8b: {  	s0 =	sand.u32 $0x1, s1  }
0x8c: {  	s17 =	sshll.u32 s0, $0xA;
	s2 =	sadd.s32 s3, s2  }
0x8d: {  	s2 =	sadd.s32 s2, s17  }
0x8e: {  	[smem:$0x3FC6] =	sst s2  }
0x8f: {  	_ = 	snop  }
0x90: {  	s2 =	sld [smem:$0x3FC9]  }
0x91: {  	s18 =	sld [smem:$0x3FD0];
	(tm) =	ssettm $0x1  }
0x92: {  	s4 =	sld [smem:$0x3FFB];
	_ =	sdelay $0x3  }
0x93: {  	_ =	strace s4  }
0x94: {  	s4 =	sld [smem:$0x3FFC];
	_ =	sdelay $0x3  }
0x95: {  	_ =	strace s4  }
0x96: {  	s4 =	sld [smem:$0x3FFD];
	_ =	sdelay $0x3  }
0x97: {  	_ =	strace s4  }
0x98: {  	_ =	strace $0x8FFFFFFF  }
0x99: {  	s19 =	sld [smem:$0x3FDB];
	_ =	sdelay $0x1  }
0x9a: {  	s5 =	simm.s32 $_scs_section_size  }
0x9b: {  	s6 =	simm.s32 $_size__tile_overlayer_lowered;
	s7 =	simm.s32 $_tile_overlayer_lowered  }
0x9c: {  	s22 =	simm.s32 $0x1BFF;
	s21 =	sshll.u32 s7, $0x1;
	s4 =	sadd.s32 s5, s19  }
0x9d: {  	s8 =	simm.s32 $0x0;
	s20 =	sshll.u32 s6, $0x1;
	s6 =	sadd.s32 s21, s4  }
0x9e: {  	[timem:s8], [sflag:s22] =	dma.local [hbm:s6], s20  }
0x9f: {  	_ =	swait.ge [sflag:s22], s20  }
0xa0: {  	s5 =	ssub.s32 $0x0, s20;
	[sflag:s22] =	ssyncset.done $0x0  }
0xa1: {  	[sflag:s22] =	ssyncadd.s32 s5;
	_ =	sdelay $0x1  }
0xa2: {  	s23 =	simm.s32 $0x1B8B  }
0xa3: {  	_ =	swait.ge [sflag:s23], $0x1  }
0xa4: {  	[sflag:s23] =	ssyncset.done $0x0  }
0xa5: {  	s25 =	simm.s32 $0x1B8E;
	s24 =	sld [smem:$0x3FFE];
	[sflag:s23] =	ssyncadd.s32 $0xFFFFFFFF  }
0xa6: {  	s26 =	simm.s32 $execute0_lowered;
	[smem:$0x3FD2] =	sst s25  }
0xa7: {  	s6 =	sshll.u32 s26, $0x1;
	_ =	strace $0x80000046;
	[dreg:$0x1] =	wrdreg $0xFFFFFFFF  }
0xa8: {  	s28 =	simm.s32 $_size_execute0_lowered;
	s4 =	sadd.s32 s4, s6;
	[dreg:$0x0] =	wrdreg $0x0  }
0xa9: {  	s6 =	sshll.u32 s28, $0x1;
	[dreg:$0x2] =	wrdreg s4  }
0xaa: {  	[dreg:$0x3] =	wrdreg s6  }
0xab: {  	[dreg:$0x4] =	wrdreg $0xC0  }
0xac: {  	_ =	task [dreg:s8], $0x5FFFF  }
0xad: {  	[dreg:$0x1] =	wrdreg $0xFFFFFFFF  }
0xae: {  	[dreg:$0x0] =	wrdreg $0x60  }
0xaf: {  	[dreg:$0x2] =	wrdreg s24  }
0xb0: {  	[dreg:$0x3] =	wrdreg s2  }
0xb1: {  	[dreg:$0x4] =	wrdreg s18  }
0xb2: {  	[dreg:$0x5] =	wrdreg $0x9  }
0xb3: {  	_ =	task.clear_ibuf [dreg:s8], $0x6FFFF;
	_ =	strace $0x90000046  }
0xb4: {  	s29 =	simm.s32 $0x9;
	_ =	strace $0x80000048  }
0xb5: {  	_ =	swait.ge [sflag:s29], $0x1  }
0xb6: {  	[sflag:s29] =	ssyncadd.s32 $0xFFFFFFFF  }
0xb7: {  	_ =	strace $0x90000048  }
0xb8: {  	_ =	sfence  }
0xb9: {  	s30 =	sld [smem:$0x0];
	_ =	sdelay $0x2  }
0xba: {  	s31 =	sshll.u32 s1, $0xD;
	s1 =	sshrl.u32 s1, $0x2  }
0xbb: {  	s3 =	sand.u32 $0x4000, s31;
	s1 =	sadd.s32 s1, s30  }
0xbc: {  	s0 =	sor.u32 s3, s0;
	s1 =	sshll.u32 s1, $0x11  }
0xbd: {  	s0 =	sor.u32 s1, s0  }
0xbe: {  	s0 =	sadd.s32 $0x8F2B, s0  }
0xbf: {  	[sflag:s0] =	ssyncadd.remote.s32 $0x1  }
0xc0: {  	_ =	sfence.sel $0xFFFF  }
0xc1: {  	[dreg:$0x0] =	wrdreg $0xFFFFFFFF;
	(pc) =	sbr.abs _section_cstart, $3  }
0xc2: {  	[dreg:$0x1] =	wrdreg $0xFFFFFFFF  }
0xc3: {  	_ =	task.clear_ibuf [dreg:s8], $0x2FFFF;
	_ =	strace $0x9FFFFFFF  }
0xc4: {  	(tm) =	ssettm $0x7FFFFFFF  }
0xc5: {  	_ =	shalt  }
tec
execute0_lowered:
.L_overlay_start_1:
0x0: {  	(tag) =	ssettag $0x1  }
0x1: {  	s4 =	rddreg [dreg:$0x0]  }
0x2: {  	s5 =	rddreg [dreg:$0x1]  }
0x3: {  	s6 =	rddreg [dreg:$0x2]  }
0x4: {  	s0 =	rddreg [dreg:$0x3]  }
0x5: {  	s3 =	srdreg.scid;
	s2 =	simm.s32 $0x0;
	s1 =	stileid.u32  }
0x6: {  	s10 =	simm.s32 $0x80;
	s11 =	simm.s32 $0x400;
	s12 =	simm.s32 $0x4400  }
0x7: {  	s13 =	simm.s32 $0x100;
	s14 =	simm.s32 $0x8400;
	s15 =	simm.s32 $0x180  }
0x8: {  	s16 =	simm.s32 $0xC400;
	s17 =	simm.s32 $0x1;
	s7 =	sand.u32 $0x1, s3  }
0x9: {  	[smem:$0x7FF] =	sst s2;
	s30 =	sshll.u32 s1, $0xA;
	s8 =	sshll.u32 s7, $0x9  }
0xa: {  	s3 =	sadd.s32 $0x400, s4;
	s7 =	ssub.s32 $0x2, s7;
	s8 =	sor.u32 s8, s30  }
0xb: {  	_ =	strace $0x80000047;
	s31 =	sshrl.u32 s7, $0x1;
	s9 =	sshll.u32 s8, $0x4  }
0xc: {  	s8 =	sshrl.u32 s8, $0x3;
	s7 =	ssub.s32 s7, s31;
	s9 =	sadd.s32 s9, s4  }
0xd: {  	s4 =	sadd.s32 s5, s8;
	s5 =	sadd.s32 s6, s8;
	s7 =	smax.u32 s7, $0x1  }
0xe: {  	s8 =	simm.s32 $0x2;
	s6 =	sadd.s32 $0xF48400, s9;
	s9 =	simm.s32 $0x200  }
.LBB2_1:
0xf: {  	[tilespmem:s2], [sflag:$0x2] =	stream.linear.gather [hbm4b:s4+s2], $0x200, $0x38;
	[tilespmem:$0x10400] =	vst v63  }
0x10: {  	_ =	swait.ge [sflag:s8], $0x200  }
0x11: {  	[sflag:s8] =	ssyncset.done $0x0  }
0x12: {  	[sflag:s8] =	ssyncadd.s32 $0xFFFFFE00  }
0x13: {  	[tilespmem:s9], [sflag:$0x2] =	stream.linear.gather [hbm4b:s5+s2], $0x200, $0x38;
	[tilespmem:$0x10400] =	vst v63  }
0x14: {  	_ =	swait.ge [sflag:s8], $0x200  }
0x15: {  	[sflag:s8] =	ssyncset.done $0x0  }
0x16: {  	[sflag:s8] =	ssyncadd.s32 $0xFFFFFE00  }
0x17: {  	v0 =	vld [tilespmem:$0x200]  }
0x18: {  	v1 =	vld [tilespmem:$0x0]  }
0x19: {  	v2 =	vld [tilespmem:$0x210]  }
0x1a: {  	v3 =	vld [tilespmem:$0x10]  }
0x1b: {  	v4 =	vld [tilespmem:$0x220]  }
0x1c: {  	v5 =	vld [tilespmem:$0x20]  }
0x1d: {  	v6 =	vld [tilespmem:$0x230]  }
0x1e: {  	v7 =	vld [tilespmem:$0x30]  }
0x1f: {  	v8 =	vld [tilespmem:$0x240]  }
0x20: {  	v9 =	vld [tilespmem:$0x40]  }
0x21: {  	v10 =	vld [tilespmem:$0x250]  }
0x22: {  	v11 =	vld [tilespmem:$0x50]  }
0x23: {  	v12 =	vld [tilespmem:$0x260]  }
0x24: {  	v13 =	vld [tilespmem:$0x60]  }
0x25: {  	v14 =	vld [tilespmem:$0x270]  }
0x26: {  	v15 =	vld [tilespmem:$0x70]  }
0x27: {  	v16 =	vld [tilespmem:$0x280]  }
0x28: {  	v17 =	vld [tilespmem:$0x80]  }
0x29: {  	v18 =	vld [tilespmem:$0x290]  }
0x2a: {  	v19 =	vld [tilespmem:$0x90]  }
0x2b: {  	v20 =	vld [tilespmem:$0x2A0]  }
0x2c: {  	v21 =	vld [tilespmem:$0xA0]  }
0x2d: {  	v22 =	vld [tilespmem:$0x2B0]  }
0x2e: {  	v23 =	vld [tilespmem:$0xB0]  }
0x2f: {  	v24 =	vld [tilespmem:$0x2C0]  }
0x30: {  	v25 =	vld [tilespmem:$0xC0]  }
0x31: {  	v26 =	vld [tilespmem:$0x2D0]  }
0x32: {  	v27 =	vld [tilespmem:$0xD0]  }
0x33: {  	v28 =	vld [tilespmem:$0x2E0]  }
0x34: {  	v29 =	vld [tilespmem:$0xE0]  }
0x35: {  	v30 =	vld [tilespmem:$0x2F0]  }
0x36: {  	v31 =	vld [tilespmem:$0xF0]  }
0x37: {  	v32 =	vld [tilespmem:$0x300]  }
0x38: {  	v33 =	vld [tilespmem:$0x100]  }
0x39: {  	v34 =	vld [tilespmem:$0x310]  }
0x3a: {  	v35 =	vld [tilespmem:$0x110]  }
0x3b: {  	v44 =	vld [tilespmem:$0x320];
	vm0 =	veq.s32 v0, $0x0  }
0x3c: {  	v45 =	vld [tilespmem:$0x120];
	vm9 =	veq.s32 v2, $0x0;
	v1 =	vnsel vm0, $0xF4240, v1  }
0x3d: {  	v47 =	vld [tilespmem:$0x330];
	vm10 =	veq.s32 v4, $0x0;
	v46 =	vnsel vm9, $0xF4240, v3;
	[tilespmem:$0x0] =	vst v1  }
0x3e: {  	v49 =	vld [tilespmem:$0x130];
	vm11 =	veq.s32 v6, $0x0;
	v48 =	vnsel vm10, $0xF4240, v5;
	[tilespmem:$0x10] =	vst v46  }
0x3f: {  	v51 =	vld [tilespmem:$0x340];
	vm12 =	veq.s32 v8, $0x0;
	v50 =	vnsel vm11, $0xF4240, v7;
	[tilespmem:$0x20] =	vst v48  }
0x40: {  	v53 =	vld [tilespmem:$0x140];
	vm13 =	veq.s32 v10, $0x0;
	v52 =	vnsel vm12, $0xF4240, v9;
	[tilespmem:$0x30] =	vst v50  }
0x41: {  	v55 =	vld [tilespmem:$0x350];
	vm14 =	veq.s32 v12, $0x0;
	v54 =	vnsel vm13, $0xF4240, v11;
	[tilespmem:$0x40] =	vst v52  }
0x42: {  	v57 =	vld [tilespmem:$0x150];
	vm15 =	veq.s32 v14, $0x0;
	v56 =	vnsel vm14, $0xF4240, v13;
	[tilespmem:$0x50] =	vst v54  }
0x43: {  	v59 =	vld [tilespmem:$0x360];
	vm4 =	veq.s32 v16, $0x0;
	v58 =	vnsel vm15, $0xF4240, v15;
	[tilespmem:$0x60] =	vst v56  }
0x44: {  	v61 =	vld [tilespmem:$0x160];
	vm5 =	veq.s32 v18, $0x0;
	v60 =	vnsel vm4, $0xF4240, v17;
	[tilespmem:$0x70] =	vst v58  }
0x45: {  	v63 =	vld [tilespmem:$0x370];
	vm6 =	veq.s32 v20, $0x0;
	v62 =	vnsel vm5, $0xF4240, v19;
	[tilespmem:$0x80] =	vst v60  }
0x46: {  	v37 =	vld [tilespmem:$0x3A0];
	vm7 =	veq.s32 v22, $0x0;
	v21 =	vnsel vm6, $0xF4240, v21;
	[tilespmem:$0x90] =	vst v62  }
0x47: {  	v39 =	vld [tilespmem:$0x1A0];
	vm8 =	veq.s32 v24, $0x0;
	v23 =	vnsel vm7, $0xF4240, v23;
	[tilespmem:$0xA0] =	vst v21  }
0x48: {  	v41 =	vld [tilespmem:$0x3B0];
	v25 =	vnsel vm8, $0xF4240, v25;
	vm9 =	veq.s32 v26, $0x0;
	[tilespmem:$0xB0] =	vst v23  }
0x49: {  	v43 =	vld [tilespmem:$0x1B0];
	vm10 =	veq.s32 v28, $0x0;
	[tilespmem:$0xC0] =	vst v25;
	v27 =	vnsel vm9, $0xF4240, v27  }
0x4a: {  	v22 =	vld [tilespmem:$0x170];
	vm11 =	veq.s32 v30, $0x0;
	v29 =	vnsel vm10, $0xF4240, v29;
	[tilespmem:$0xD0] =	vst v27  }
0x4b: {  	v24 =	vld [tilespmem:$0x380];
	vm12 =	veq.s32 v32, $0x0;
	v36 =	vnsel vm11, $0xF4240, v31;
	[tilespmem:$0xE0] =	vst v29  }
0x4c: {  	v26 =	vld [tilespmem:$0x180];
	vm13 =	veq.s32 v34, $0x0;
	v38 =	vnsel vm12, $0xF4240, v33;
	[tilespmem:$0xF0] =	vst v36  }
0x4d: {  	v28 =	vld [tilespmem:$0x390];
	vm14 =	veq.s32 v44, $0x0;
	v40 =	vnsel vm13, $0xF4240, v35;
	[tilespmem:$0x100] =	vst v38  }
0x4e: {  	v30 =	vld [tilespmem:$0x190];
	vm15 =	veq.s32 v47, $0x0;
	v42 =	vnsel vm14, $0xF4240, v45;
	[tilespmem:$0x110] =	vst v40  }
0x4f: {  	vm4 =	veq.s32 v51, $0x0;
	v47 =	vld [tilespmem:$0x1C0];
	v44 =	vnsel vm15, $0xF4240, v49;
	[tilespmem:$0x120] =	vst v42  }
0x50: {  	vm5 =	veq.s32 v55, $0x0;
	v51 =	vld [tilespmem:$0x1D0];
	v46 =	vnsel vm4, $0xF4240, v53;
	[tilespmem:$0x130] =	vst v44  }
0x51: {  	vm6 =	veq.s32 v59, $0x0;
	v55 =	vld [tilespmem:$0x1E0];
	v48 =	vnsel vm5, $0xF4240, v57;
	[tilespmem:$0x140] =	vst v46  }
0x52: {  	v45 =	vld [tilespmem:$0x3C0];
	v50 =	vnsel vm6, $0xF4240, v61;
	vm10 =	veq.s32 v37, $0x0;
	[tilespmem:$0x150] =	vst v48  }
0x53: {  	v49 =	vld [tilespmem:$0x3D0];
	vm11 =	veq.s32 v41, $0x0;
	[tilespmem:$0x160] =	vst v50;
	v58 =	vnsel vm10, $0xF4240, v39  }
0x54: {  	vm7 =	veq.s32 v63, $0x0;
	v53 =	vld [tilespmem:$0x3E0];
	v60 =	vnsel vm11, $0xF4240, v43;
	[tilespmem:$0x1A0] =	vst v58  }
0x55: {  	v57 =	vld [tilespmem:$0x3F0];
	[tilespmem:$0x1B0] =	vst v60;
	v52 =	vnsel vm7, $0xF4240, v22;
	vm8 =	veq.s32 v24, $0x0  }
0x56: {  	v59 =	vld [tilespmem:$0x1F0];
	[tilespmem:$0x170] =	vst v52;
	v54 =	vnsel vm8, $0xF4240, v26;
	vm9 =	veq.s32 v28, $0x0  }
0x57: {  	[tilespmem:$0x180] =	vst v54;
	v56 =	vnsel vm9, $0xF4240, v30;
	vm12 =	veq.s32 v45, $0x0  }
0x58: {  	vm13 =	veq.s32 v49, $0x0;
	[tilespmem:$0x190] =	vst v56;
	v61 =	vnsel vm12, $0xF4240, v47  }
0x59: {  	vm14 =	veq.s32 v53, $0x0;
	v62 =	vnsel vm13, $0xF4240, v51;
	[tilespmem:$0x1C0] =	vst v61  }
0x5a: {  	vm15 =	veq.s32 v57, $0x0;
	v63 =	vnsel vm14, $0xF4240, v55;
	[tilespmem:$0x1D0] =	vst v62  }
0x5b: {  	v0 =	vnsel vm15, $0xF4240, v59;
	[tilespmem:$0x1E0] =	vst v63  }
0x5c: {  	[tilespmem:$0x1F0] =	vst v0  }
0x5d: {  	[tilespmem:s11], [sflag:$0x1] =	stream.indirect.gather [hbm4b:s3+s10], $0x80, s2, s10, $0xb8;
	[tilespmem:$0x10400] =	vst v63  }
0x5e: {  	_ = 	snop  }
0x5f: {  	[tilespmem:s12], [sflag:$0x1] =	stream.indirect.gather [hbm4b:s3+s10], $0x80, s10, s10, $0xb8;
	[tilespmem:$0x10400] =	vst v63  }
0x60: {  	_ = 	snop  }
0x61: {  	[tilespmem:s14], [sflag:$0x1] =	stream.indirect.gather [hbm4b:s3+s10], $0x80, s13, s10, $0xb8;
	[tilespmem:$0x10400] =	vst v63  }
0x62: {  	_ = 	snop  }
0x63: {  	[tilespmem:s16], [sflag:$0x1] =	stream.indirect.gather [hbm4b:s3+s10], $0x80, s15, s10, $0xb8;
	[tilespmem:$0x10400] =	vst v63  }
0x64: {  	_ =	swait.ge [sflag:s17], $0x4000  }
0x65: {  	[sflag:s17] =	ssyncset.done $0x0  }
0x66: {  	[sflag:s17] =	ssyncadd.s32 $0xFFFFC000  }
0x67: {  	_ =	swait.ge [sflag:s17], $0x4000  }
0x68: {  	[sflag:s17] =	ssyncset.done $0x0  }
0x69: {  	[sflag:s17] =	ssyncadd.s32 $0xFFFFC000  }
0x6a: {  	_ =	swait.ge [sflag:s17], $0x4000  }
0x6b: {  	[sflag:s17] =	ssyncset.done $0x0  }
0x6c: {  	[sflag:s17] =	ssyncadd.s32 $0xFFFFC000  }
0x6d: {  	_ =	swait.ge [sflag:s17], $0x4000  }
0x6e: {  	p0 =	sne.s32 s7, $0x1;
	[sflag:s17] =	ssyncset.done $0x0  }
.Ltmp0:
0x6f: {  	[sflag:s17] =	ssyncadd.s32 $0xFFFFC000;
	(pc) =	sbr.rel @p0 .LBB2_1-.Ltmp0, $4  }
0x70: {  	[hbm4b:s6+s2] =	stream.linear.scatter [tilespmem:s11], [sflag:$0x2], $0x10000, $0x38;
	[tilespmem:$0x10400] =	vst v63  }
0x71: {  	_ =	swait.ge [sflag:s8], $0x10000  }
0x72: {  	[sflag:s8] =	ssyncset.done $0x0  }
0x73: {  	s7 =	sadd.s32 $0xFFFFFFFF, s7;
	[sflag:s8] =	ssyncadd.s32 $0xFFFF0000  }
0x74: {  	_ =	sfence.sel $0x180000  }
0x75: {  	[bflag:$0x0] =	sbarrier.arrive $0xFFFF  }
0x76: {  	p0 =	sne.s32 s1, $0x0;
	_ =	strace $0x90000047  }
0x77: {  	s0 =	sadd.s32 @!p0 $0x100000, s0;
	[bflag:$0x2] =	sbarrier.arrive $0xFFFF  }
0x78: {  	[sflag:s0] =	ssyncadd.tile.s32 @!p0 $0x1;
	_ =	shalt  }
.Lfunc_end2:
_tile_overlayer_lowered:
.L_overlay_start_2:
0x79: {  	(tag) =	ssettag $0x2  }
0x7a: {  	s0 =	rddreg [dreg:$0x0];
	s2 =	stileid.u32  }
0x7b: {  	s1 =	rddreg [dreg:$0x1];
	p0 =	sne.s32 s2, $0x0  }
0x7c: {  	s3 =	rddreg [dreg:$0x2];
	[bflag:$0x3] =	sbarrier.arrive $0xFFFF;
	s2 =	simm.s32 @!p0 $0x1C02  }
0x7d: {  	[timem:s3], [sflag:s2] =	dma.local @!p0 [hbm:s0], s1  }
0x7e: {  	s0 =	simm.s32 @!p0 $0x2  }
0x7f: {  	_ =	swait.ge @!p0 [sflag:s0], s1  }
0x80: {  	s1 =	ssub.s32 @!p0 $0x0, s1;
	[sflag:s0] =	ssyncset.done @!p0 $0x0  }
0x81: {  	[sflag:s0] =	ssyncadd.s32 @!p0 s1  }
0x82: {  	[bflag:$0x3] =	sbarrier.arrive $0xFFFF  }
0x83: {  	_ =	shalt  }

</sc_bundles>
